<compile_context>
chip_gen: v7x
topology: tpu7x:2x2x1
jax: 0.10.2.dev20260603
libtpu: 0.0.44.dev20260713+nightly
codegen_flags: <defaults>
</compile_context>

<pallas_src>
import functools

import jax
import jax.numpy as jnp
from jax import lax
from jax.experimental import pallas as pl
from jax.experimental.pallas import tpu as pltpu
from jax.experimental.pallas import tpu_sc as plsc

VOCAB = 1000000
D = 64
BATCH = 16384
SEQ = 50
NC, NS, L = 2, 16, 16
NW = NC * NS
NCHUNK = BATCH // NW
NBUF = 4
ROUNDS = NCHUNK // NBUF


def _body(table_hbm, idx_hbm, scale_hbm, out_hbm,
          idx_all, scale_v, gbufs, sbufs, gsems, ssems):
    wid = lax.axis_index("s") * NC + lax.axis_index("c")
    base = wid * NCHUNK

    pltpu.sync_copy(idx_hbm.at[wid], idx_all)
    pltpu.sync_copy(scale_hbm, scale_v)
    svec = scale_v[...]

    def fire(c, b):
        pltpu.async_copy(table_hbm.at[idx_all.at[c]], gbufs[b], gsems[b])

    def wait_gather(b):
        pltpu.make_async_copy(table_hbm.at[idx_all.at[0]],
                              gbufs[b], gsems[b]).wait()

    def select_scale(b):
        gbuf, sbuf = gbufs[b], sbufs[b]

        def jstep(j, _):
            for k in range(D // L):
                sl = pl.ds(k * L, L)
                sbuf[j, sl] = gbuf[j, sl] * svec
            return 0
        lax.fori_loop(0, SEQ, jstep, 0)

    def start_store(c, b):
        pltpu.async_copy(sbufs[b], out_hbm.at[base + c], ssems[b])

    def wait_store(b):
        pltpu.make_async_copy(sbufs[b], out_hbm.at[0], ssems[b]).wait()

    for b in range(NBUF):
        fire(b, b)

    def step(t, _):
        c0 = t * NBUF
        for b in range(NBUF):
            wait_gather(b)

            @pl.when(t > 0)
            def _():
                wait_store(b)

            select_scale(b)

            @pl.when(t < ROUNDS - 1)
            def _():
                fire(c0 + NBUF + b, b)

            start_store(c0 + b, b)
        return 0

    lax.fori_loop(0, ROUNDS, step, 0)
    for b in range(NBUF):
        wait_store(b)


@jax.jit
def _embed(table_pad, idx, scale_vec):
    mesh = plsc.VectorSubcoreMesh(core_axis_name="c", subcore_axis_name="s")
    k = pl.kernel(
        _body,
        out_type=jax.ShapeDtypeStruct((BATCH, SEQ, D), jnp.float32),
        mesh=mesh,
        scratch_types=[
            pltpu.VMEM((NCHUNK, SEQ), jnp.int32),
            pltpu.VMEM((L,), jnp.float32),
            [pltpu.VMEM((SEQ, 2 * D), jnp.float32) for _ in range(NBUF)],
            [pltpu.VMEM((SEQ, D), jnp.float32) for _ in range(NBUF)],
            [pltpu.SemaphoreType.DMA for _ in range(NBUF)],
            [pltpu.SemaphoreType.DMA for _ in range(NBUF)],
        ],
        compiler_params=pltpu.CompilerParams(use_tc_tiling_on_sc=True,
                                             needs_layout_passes=False),
    )
    return k(table_pad, idx, scale_vec)


BB = 512


def _tpose_out_body(x_ref, out_ref):
    for s in range(SEQ):
        out_ref[s, :, :] = jnp.transpose(x_ref[:, s, :], (1, 0))


@jax.jit
def _tpose_out(x):
    return pl.pallas_call(
        _tpose_out_body,
        grid=(BATCH // BB,),
        in_specs=[pl.BlockSpec((BB, SEQ, D), lambda n: (n, 0, 0))],
        out_specs=pl.BlockSpec((SEQ, D, BB), lambda n: (0, 0, n)),
        out_shape=jax.ShapeDtypeStruct((SEQ, D, BATCH), jnp.float32),
        compiler_params=pltpu.CompilerParams(vmem_limit_bytes=100 << 20),
    )(x)


def kernel(token_ids, embed_weight, scale):
    table_pad = jnp.pad(embed_weight, ((0, 0), (0, D)))
    idx = token_ids.reshape(NW, NCHUNK, SEQ).astype(jnp.int32)
    scale_vec = jnp.broadcast_to(scale.astype(jnp.float32), (L,))
    out = _embed(table_pad, idx, scale_vec)
    out_t = _tpose_out(out)
    return jnp.transpose(out_t, (2, 0, 1))

# --- scband reference (transcript-rebuilt; emitter-appended) ---
"""Pipeline reference for scband-value-embedding-11519102288027 (READ-ONLY COPY).

The authoritative reference and input builder live on the scoring server;
editing this copy changes nothing except your own understanding.
"""

import jax, jax.numpy as jnp
import numpy as np

VOCAB = 1000000
VE_DIM = 64
KV_DIM = 64


def setup_inputs(seed: int = 0) -> dict:
    key = jax.random.key(seed)
    k1, k2 = jax.random.split(key, 2)
    token_ids = jax.random.randint(k1, (16384, 50), 0, VOCAB, dtype=jnp.int64 if jax.config.jax_enable_x64 else jnp.int32)
    embed_weight = jax.random.normal(k2, (VOCAB, VE_DIM), dtype=jnp.float32) * 0.01
    scale = jnp.asarray(0.1, dtype=jnp.float32)
    return {"token_ids": token_ids, "embed_weight": embed_weight, "scale": scale}


def reference(token_ids, embed_weight, scale):
    # ValueEmbedding.forward: h = embed(token_ids); (proj is None since ve_dim == kv_dim); return h * scale
    h = jnp.take(embed_weight, token_ids, axis=0)
    return h * scale.astype(h.dtype)

if __name__ == "__main__":
    import jax
    _d = setup_inputs()
    print(jax.jit(kernel)(*tuple(_d.values())))

</pallas_src>

<mosaic_0001>
#map = affine_map<(d0, d1) -> (0, 0)>
#map1 = affine_map<(d0, d1) -> (0, 0, 0)>
#map2 = affine_map<(d0, d1) -> (0)>
module attributes {stable_mosaic.version = 14 : i64} {
  func.func @_body(%arg0: i32, %arg1: i32, %arg2: memref<1000000x128xf32, #tpu.memory_space<hbm>>, %arg3: memref<32x512x50xi32, #tpu.memory_space<hbm>>, %arg4: memref<16xf32, #tpu.memory_space<hbm>>, %arg5: memref<16384x50x64xf32, #tpu.memory_space<hbm>>, %arg6: memref<512x50xi32, #tpu.memory_space<vmem>>, %arg7: memref<16xf32, #tpu.memory_space<vmem>>, %arg8: memref<50x128xf32, #tpu.memory_space<vmem>>, %arg9: memref<50x128xf32, #tpu.memory_space<vmem>>, %arg10: memref<50x128xf32, #tpu.memory_space<vmem>>, %arg11: memref<50x128xf32, #tpu.memory_space<vmem>>, %arg12: memref<50x64xf32, #tpu.memory_space<vmem>>, %arg13: memref<50x64xf32, #tpu.memory_space<vmem>>, %arg14: memref<50x64xf32, #tpu.memory_space<vmem>>, %arg15: memref<50x64xf32, #tpu.memory_space<vmem>>, %arg16: memref<!tpu.dma_semaphore, #tpu.memory_space<semaphore_mem>>, %arg17: memref<!tpu.dma_semaphore, #tpu.memory_space<semaphore_mem>>, %arg18: memref<!tpu.dma_semaphore, #tpu.memory_space<semaphore_mem>>, %arg19: memref<!tpu.dma_semaphore, #tpu.memory_space<semaphore_mem>>, %arg20: memref<!tpu.dma_semaphore, #tpu.memory_space<semaphore_mem>>, %arg21: memref<!tpu.dma_semaphore, #tpu.memory_space<semaphore_mem>>, %arg22: memref<!tpu.dma_semaphore, #tpu.memory_space<semaphore_mem>>, %arg23: memref<!tpu.dma_semaphore, #tpu.memory_space<semaphore_mem>>) attributes {dimension_semantics = [#tpu.dimension_semantics<core_parallel>, #tpu.dimension_semantics<subcore_parallel>], iteration_bounds = array<i64: 2, 16>, scalar_prefetch = 0 : i64, scratch_operands = 18 : i64, tpu.core_type = #tpu.core_type<sc_vector_subcore>, window_params = [{transform_indices = #map}, {transform_indices = #map1}, {transform_indices = #map2}, {transform_indices = #map1}]} {
    %mul3A = arith.constant 2 : i32
    %mul3A_0 = arith.muli %arg1, %mul3A : i32
    %add3A = arith.addi %mul3A_0, %arg0 : i32
    %mul3A_1 = arith.constant 512 : i32
    %mul3A_2 = arith.muli %add3A, %mul3A_1 : i32
    "tpu.region"() ({
      %run_scoped3A = tpu.sem_alloc : memref<!tpu.dma_semaphore, #tpu.memory_space<semaphore_mem>>
      %dma_start3A_72 = arith.constant 0 : i32
      %dma_start3A_73 = arith.constant 0 : i32
      %dma_start3A_74 = tpu.memref_slice %arg3[%add3A, %dma_start3A_72, %dma_start3A_73] : memref<32x512x50xi32, #tpu.memory_space<hbm>> -> memref<1x512x50xi32, #tpu.memory_space<hbm>>
      %dma_start3A_75 = tpu.memref_squeeze %dma_start3A_74 : memref<1x512x50xi32, #tpu.memory_space<hbm>> -> memref<512x50xi32, #tpu.memory_space<hbm>>
      %dma_start3A_76 = arith.constant 0 : i32
      %dma_start3A_77 = arith.constant 0 : i32
      %dma_start3A_78 = tpu.memref_slice %arg3[%add3A, %dma_start3A_76, %dma_start3A_77] : memref<32x512x50xi32, #tpu.memory_space<hbm>> -> memref<1x512x50xi32, #tpu.memory_space<hbm>>
      %dma_start3A_79 = tpu.memref_squeeze %dma_start3A_78 : memref<1x512x50xi32, #tpu.memory_space<hbm>> -> memref<512x50xi32, #tpu.memory_space<hbm>>
      tpu.enqueue_dma source(%dma_start3A_79 : memref<512x50xi32, #tpu.memory_space<hbm>>) target(%arg6 : memref<512x50xi32, #tpu.memory_space<vmem>>) target_semaphore(%run_scoped3A : memref<!tpu.dma_semaphore, #tpu.memory_space<semaphore_mem>>)
      %dma_wait3A_80 = arith.constant 0 : i32
      %dma_wait3A_81 = arith.constant 0 : i32
      %dma_wait3A_82 = tpu.memref_slice %arg3[%add3A, %dma_wait3A_80, %dma_wait3A_81] : memref<32x512x50xi32, #tpu.memory_space<hbm>> -> memref<1x512x50xi32, #tpu.memory_space<hbm>>
      %dma_wait3A_83 = tpu.memref_squeeze %dma_wait3A_82 : memref<1x512x50xi32, #tpu.memory_space<hbm>> -> memref<512x50xi32, #tpu.memory_space<hbm>>
      %dma_wait3A_84 = arith.constant 0 : i32
      %dma_wait3A_85 = arith.constant 0 : i32
      %dma_wait3A_86 = tpu.memref_slice %arg3[%add3A, %dma_wait3A_84, %dma_wait3A_85] : memref<32x512x50xi32, #tpu.memory_space<hbm>> -> memref<1x512x50xi32, #tpu.memory_space<hbm>>
      %dma_wait3A_87 = tpu.memref_squeeze %dma_wait3A_86 : memref<1x512x50xi32, #tpu.memory_space<hbm>> -> memref<512x50xi32, #tpu.memory_space<hbm>>
      tpu.wait_dma2 semaphore(%run_scoped3A : memref<!tpu.dma_semaphore, #tpu.memory_space<semaphore_mem>>) src(%dma_wait3A_87 : memref<512x50xi32, #tpu.memory_space<hbm>>) dst(%arg6 : memref<512x50xi32, #tpu.memory_space<vmem>>)
      tpu.yield
    }) : () -> ()
    "tpu.region"() ({
      %run_scoped3A = tpu.sem_alloc : memref<!tpu.dma_semaphore, #tpu.memory_space<semaphore_mem>>
      tpu.enqueue_dma source(%arg4 : memref<16xf32, #tpu.memory_space<hbm>>) target(%arg7 : memref<16xf32, #tpu.memory_space<vmem>>) target_semaphore(%run_scoped3A : memref<!tpu.dma_semaphore, #tpu.memory_space<semaphore_mem>>)
      tpu.wait_dma2 semaphore(%run_scoped3A : memref<!tpu.dma_semaphore, #tpu.memory_space<semaphore_mem>>) src(%arg4 : memref<16xf32, #tpu.memory_space<hbm>>) dst(%arg7 : memref<16xf32, #tpu.memory_space<vmem>>)
      tpu.yield
    }) : () -> ()
    %get3A = arith.constant 0 : index
    %get3A_3 = tpu.vector_load %arg7[%get3A] {strides = array<i32>} : memref<16xf32, #tpu.memory_space<vmem>>, vector<16xf32>,
    %dma_start3A = arith.constant 0 : i32
    %dma_start3A_4 = arith.constant 0 : i32
    %dma_start3A_5 = tpu.memref_slice %arg6[%dma_start3A, %dma_start3A_4] : memref<512x50xi32, #tpu.memory_space<vmem>> -> memref<1x50xi32, #tpu.memory_space<vmem>>
    %dma_start3A_6 = tpu.memref_squeeze %dma_start3A_5 : memref<1x50xi32, #tpu.memory_space<vmem>> -> memref<50xi32, #tpu.memory_space<vmem>>
    %dma_start3A_7 = arith.constant 0 : i32
    %dma_start3A_8 = arith.constant 0 : i32
    %dma_start3A_9 = tpu.memref_slice %arg2[%dma_start3A_7, %dma_start3A_8] : memref<1000000x128xf32, #tpu.memory_space<hbm>> -> memref<1000000x128xf32, #tpu.memory_space<hbm>>
    tpu.enqueue_indirect_dma source(%dma_start3A_9 : memref<1000000x128xf32, #tpu.memory_space<hbm>>) target(%arg8 : memref<50x128xf32, #tpu.memory_space<vmem>>) offsets(%dma_start3A_6 : memref<50xi32, #tpu.memory_space<vmem>>) semaphore(%arg16 : memref<!tpu.dma_semaphore, #tpu.memory_space<semaphore_mem>>)
    %dma_start3A_10 = arith.constant 1 : i32
    %dma_start3A_11 = arith.constant 0 : i32
    %dma_start3A_12 = tpu.memref_slice %arg6[%dma_start3A_10, %dma_start3A_11] : memref<512x50xi32, #tpu.memory_space<vmem>> -> memref<1x50xi32, #tpu.memory_space<vmem>>
    %dma_start3A_13 = tpu.memref_squeeze %dma_start3A_12 : memref<1x50xi32, #tpu.memory_space<vmem>> -> memref<50xi32, #tpu.memory_space<vmem>>
    %dma_start3A_14 = arith.constant 0 : i32
    %dma_start3A_15 = arith.constant 0 : i32
    %dma_start3A_16 = tpu.memref_slice %arg2[%dma_start3A_14, %dma_start3A_15] : memref<1000000x128xf32, #tpu.memory_space<hbm>> -> memref<1000000x128xf32, #tpu.memory_space<hbm>>
    tpu.enqueue_indirect_dma source(%dma_start3A_16 : memref<1000000x128xf32, #tpu.memory_space<hbm>>) target(%arg9 : memref<50x128xf32, #tpu.memory_space<vmem>>) offsets(%dma_start3A_13 : memref<50xi32, #tpu.memory_space<vmem>>) semaphore(%arg17 : memref<!tpu.dma_semaphore, #tpu.memory_space<semaphore_mem>>)
    %dma_start3A_17 = arith.constant 2 : i32
    %dma_start3A_18 = arith.constant 0 : i32
    %dma_start3A_19 = tpu.memref_slice %arg6[%dma_start3A_17, %dma_start3A_18] : memref<512x50xi32, #tpu.memory_space<vmem>> -> memref<1x50xi32, #tpu.memory_space<vmem>>
    %dma_start3A_20 = tpu.memref_squeeze %dma_start3A_19 : memref<1x50xi32, #tpu.memory_space<vmem>> -> memref<50xi32, #tpu.memory_space<vmem>>
    %dma_start3A_21 = arith.constant 0 : i32
    %dma_start3A_22 = arith.constant 0 : i32
    %dma_start3A_23 = tpu.memref_slice %arg2[%dma_start3A_21, %dma_start3A_22] : memref<1000000x128xf32, #tpu.memory_space<hbm>> -> memref<1000000x128xf32, #tpu.memory_space<hbm>>
    tpu.enqueue_indirect_dma source(%dma_start3A_23 : memref<1000000x128xf32, #tpu.memory_space<hbm>>) target(%arg10 : memref<50x128xf32, #tpu.memory_space<vmem>>) offsets(%dma_start3A_20 : memref<50xi32, #tpu.memory_space<vmem>>) semaphore(%arg18 : memref<!tpu.dma_semaphore, #tpu.memory_space<semaphore_mem>>)
    %dma_start3A_24 = arith.constant 3 : i32
    %dma_start3A_25 = arith.constant 0 : i32
    %dma_start3A_26 = tpu.memref_slice %arg6[%dma_start3A_24, %dma_start3A_25] : memref<512x50xi32, #tpu.memory_space<vmem>> -> memref<1x50xi32, #tpu.memory_space<vmem>>
    %dma_start3A_27 = tpu.memref_squeeze %dma_start3A_26 : memref<1x50xi32, #tpu.memory_space<vmem>> -> memref<50xi32, #tpu.memory_space<vmem>>
    %dma_start3A_28 = arith.constant 0 : i32
    %dma_start3A_29 = arith.constant 0 : i32
    %dma_start3A_30 = tpu.memref_slice %arg2[%dma_start3A_28, %dma_start3A_29] : memref<1000000x128xf32, #tpu.memory_space<hbm>> -> memref<1000000x128xf32, #tpu.memory_space<hbm>>
    tpu.enqueue_indirect_dma source(%dma_start3A_30 : memref<1000000x128xf32, #tpu.memory_space<hbm>>) target(%arg11 : memref<50x128xf32, #tpu.memory_space<vmem>>) offsets(%dma_start3A_27 : memref<50xi32, #tpu.memory_space<vmem>>) semaphore(%arg19 : memref<!tpu.dma_semaphore, #tpu.memory_space<semaphore_mem>>)
    %scan3A = arith.constant 0 : i32
    %scan3A_31 = arith.constant 0 : i32
    %scan3A_32 = arith.constant 128 : i32
    %scan3A_33 = arith.addi %scan3A_31, %scan3A_32 : i32
    %scan3A_34 = arith.constant 1 : i32
    %scan3A_35 = scf.for %scan3A_72 = %scan3A_31 to %scan3A_33 step %scan3A_34 iter_args(%scan3A_73 = %scan3A) -> (i32)  : i32 {
      %mul3A_74 = arith.constant 4 : i32
      %mul3A_75 = arith.muli %scan3A_72, %mul3A_74 : i32
      %dma_wait3A_76 = arith.constant 0 : i32
      %dma_wait3A_77 = arith.constant 0 : i32
      %dma_wait3A_78 = tpu.memref_slice %arg6[%dma_wait3A_76, %dma_wait3A_77] : memref<512x50xi32, #tpu.memory_space<vmem>> -> memref<1x50xi32, #tpu.memory_space<vmem>>
      %dma_wait3A_79 = tpu.memref_squeeze %dma_wait3A_78 : memref<1x50xi32, #tpu.memory_space<vmem>> -> memref<50xi32, #tpu.memory_space<vmem>>
      %dma_wait3A_80 = arith.constant 0 : i32
      %dma_wait3A_81 = arith.constant 0 : i32
      %dma_wait3A_82 = tpu.memref_slice %arg2[%dma_wait3A_80, %dma_wait3A_81] : memref<1000000x128xf32, #tpu.memory_space<hbm>> -> memref<1000000x128xf32, #tpu.memory_space<hbm>>
      tpu.wait_indirect_dma semaphore(%arg16 : memref<!tpu.dma_semaphore, #tpu.memory_space<semaphore_mem>>) src(%dma_wait3A_82 : memref<1000000x128xf32, #tpu.memory_space<hbm>>) dst(%arg8 : memref<50x128xf32, #tpu.memory_space<vmem>>)
      %gt3A = arith.constant 0 : i32
      %gt3A_83 = arith.cmpi sgt, %scan3A_72, %gt3A : i32
      %convert_element_type3A = arith.extui %gt3A_83 : i1 to i32
      %cond3A = arith.constant 0 : i32
      %cond3A_84 = arith.cmpi ne, %convert_element_type3A, %cond3A : i32
      scf.if %cond3A_84 {
        %dma_wait3A_213 = arith.constant 0 : i32
        %dma_wait3A_214 = arith.constant 0 : i32
        %dma_wait3A_215 = arith.constant 0 : i32
        %dma_wait3A_216 = tpu.memref_slice %arg5[%dma_wait3A_213, %dma_wait3A_214, %dma_wait3A_215] : memref<16384x50x64xf32, #tpu.memory_space<hbm>> -> memref<1x50x64xf32, #tpu.memory_space<hbm>>
        %dma_wait3A_217 = tpu.memref_squeeze %dma_wait3A_216 : memref<1x50x64xf32, #tpu.memory_space<hbm>> -> memref<50x64xf32, #tpu.memory_space<hbm>>
        %dma_wait3A_218 = arith.constant 0 : i32
        %dma_wait3A_219 = arith.constant 0 : i32
        %dma_wait3A_220 = tpu.memref_slice %arg5[%dma_wait3A_213, %dma_wait3A_218, %dma_wait3A_219] : memref<16384x50x64xf32, #tpu.memory_space<hbm>> -> memref<1x50x64xf32, #tpu.memory_space<hbm>>
        %dma_wait3A_221 = tpu.memref_squeeze %dma_wait3A_220 : memref<1x50x64xf32, #tpu.memory_space<hbm>> -> memref<50x64xf32, #tpu.memory_space<hbm>>
        tpu.wait_dma2 semaphore(%arg20 : memref<!tpu.dma_semaphore, #tpu.memory_space<semaphore_mem>>) src(%arg12 : memref<50x64xf32, #tpu.memory_space<vmem>>) dst(%dma_wait3A_221 : memref<50x64xf32, #tpu.memory_space<hbm>>)
      } else {
      }
      %scan3A_85 = arith.constant 0 : i32
      %scan3A_86 = arith.constant 0 : i32
      %scan3A_87 = arith.constant 50 : i32
      %scan3A_88 = arith.addi %scan3A_86, %scan3A_87 : i32
      %scan3A_89 = arith.constant 1 : i32
      %scan3A_90 = scf.for %scan3A_213 = %scan3A_86 to %scan3A_88 step %scan3A_89 iter_args(%scan3A_214 = %scan3A_85) -> (i32)  : i32 {
        %get3A_215 = arith.index_cast %scan3A_213 : i32 to index
        %get3A_216 = arith.constant 0 : index
        %get3A_217 = tpu.vector_load %arg8[%get3A_215, %get3A_216] {strides = array<i32>} : memref<50x128xf32, #tpu.memory_space<vmem>>, vector<16xf32>,
        %mul3A_218 = arith.mulf %get3A_217, %get3A_3 : vector<16xf32>
        %swap3A = arith.index_cast %scan3A_213 : i32 to index
        %swap3A_219 = arith.constant 0 : index
        %swap3A_220 = tpu.vector_load %arg12[%swap3A, %swap3A_219] {strides = array<i32>} : memref<50x64xf32, #tpu.memory_space<vmem>>, vector<16xf32>,
        tpu.vector_store %arg12[%swap3A, %swap3A_219], %mul3A_218 {strides = array<i32>} : memref<50x64xf32, #tpu.memory_space<vmem>>, vector<16xf32>,
        %get3A_221 = arith.index_cast %scan3A_213 : i32 to index
        %get3A_222 = arith.constant 16 : index
        %get3A_223 = tpu.vector_load %arg8[%get3A_221, %get3A_222] {strides = array<i32>} : memref<50x128xf32, #tpu.memory_space<vmem>>, vector<16xf32>,
        %mul3A_224 = arith.mulf %get3A_223, %get3A_3 : vector<16xf32>
        %swap3A_225 = arith.index_cast %scan3A_213 : i32 to index
        %swap3A_226 = arith.constant 16 : index
        %swap3A_227 = tpu.vector_load %arg12[%swap3A_225, %swap3A_226] {strides = array<i32>} : memref<50x64xf32, #tpu.memory_space<vmem>>, vector<16xf32>,
        tpu.vector_store %arg12[%swap3A_225, %swap3A_226], %mul3A_224 {strides = array<i32>} : memref<50x64xf32, #tpu.memory_space<vmem>>, vector<16xf32>,
        %get3A_228 = arith.index_cast %scan3A_213 : i32 to index
        %get3A_229 = arith.constant 32 : index
        %get3A_230 = tpu.vector_load %arg8[%get3A_228, %get3A_229] {strides = array<i32>} : memref<50x128xf32, #tpu.memory_space<vmem>>, vector<16xf32>,
        %mul3A_231 = arith.mulf %get3A_230, %get3A_3 : vector<16xf32>
        %swap3A_232 = arith.index_cast %scan3A_213 : i32 to index
        %swap3A_233 = arith.constant 32 : index
        %swap3A_234 = tpu.vector_load %arg12[%swap3A_232, %swap3A_233] {strides = array<i32>} : memref<50x64xf32, #tpu.memory_space<vmem>>, vector<16xf32>,
        tpu.vector_store %arg12[%swap3A_232, %swap3A_233], %mul3A_231 {strides = array<i32>} : memref<50x64xf32, #tpu.memory_space<vmem>>, vector<16xf32>,
        %get3A_235 = arith.index_cast %scan3A_213 : i32 to index
        %get3A_236 = arith.constant 48 : index
        %get3A_237 = tpu.vector_load %arg8[%get3A_235, %get3A_236] {strides = array<i32>} : memref<50x128xf32, #tpu.memory_space<vmem>>, vector<16xf32>,
        %mul3A_238 = arith.mulf %get3A_237, %get3A_3 : vector<16xf32>
        %swap3A_239 = arith.index_cast %scan3A_213 : i32 to index
        %swap3A_240 = arith.constant 48 : index
        %swap3A_241 = tpu.vector_load %arg12[%swap3A_239, %swap3A_240] {strides = array<i32>} : memref<50x64xf32, #tpu.memory_space<vmem>>, vector<16xf32>,
        tpu.vector_store %arg12[%swap3A_239, %swap3A_240], %mul3A_238 {strides = array<i32>} : memref<50x64xf32, #tpu.memory_space<vmem>>, vector<16xf32>,
        %scan3A_242 = arith.constant 0 : i32
        scf.yield %scan3A_242 : i32
      }
      %scan3A_91 = arith.constant 50 : i32
      %lt3A = arith.constant 127 : i32
      %lt3A_92 = arith.cmpi slt, %scan3A_72, %lt3A : i32
      %convert_element_type3A_93 = arith.extui %lt3A_92 : i1 to i32
      %cond3A_94 = arith.constant 0 : i32
      %cond3A_95 = arith.cmpi ne, %convert_element_type3A_93, %cond3A_94 : i32
      scf.if %cond3A_95 {
        %add3A_213 = arith.constant 4 : i32
        %add3A_214 = arith.addi %mul3A_75, %add3A_213 : i32
        %add3A_215 = arith.constant 0 : i32
        %add3A_216 = arith.addi %add3A_214, %add3A_215 : i32
        %dma_start3A_217 = arith.constant 0 : i32
        %dma_start3A_218 = tpu.memref_slice %arg6[%add3A_216, %dma_start3A_217] : memref<512x50xi32, #tpu.memory_space<vmem>> -> memref<1x50xi32, #tpu.memory_space<vmem>>
        %dma_start3A_219 = tpu.memref_squeeze %dma_start3A_218 : memref<1x50xi32, #tpu.memory_space<vmem>> -> memref<50xi32, #tpu.memory_space<vmem>>
        %dma_start3A_220 = arith.constant 0 : i32
        %dma_start3A_221 = arith.constant 0 : i32
        %dma_start3A_222 = tpu.memref_slice %arg2[%dma_start3A_220, %dma_start3A_221] : memref<1000000x128xf32, #tpu.memory_space<hbm>> -> memref<1000000x128xf32, #tpu.memory_space<hbm>>
        tpu.enqueue_indirect_dma source(%dma_start3A_222 : memref<1000000x128xf32, #tpu.memory_space<hbm>>) target(%arg8 : memref<50x128xf32, #tpu.memory_space<vmem>>) offsets(%dma_start3A_219 : memref<50xi32, #tpu.memory_space<vmem>>) semaphore(%arg16 : memref<!tpu.dma_semaphore, #tpu.memory_space<semaphore_mem>>)
      } else {
      }
      %add3A_96 = arith.constant 0 : i32
      %add3A_97 = arith.addi %mul3A_75, %add3A_96 : i32
      %add3A_98 = arith.addi %mul3A_2, %add3A_97 : i32
      %dma_start3A_99 = arith.constant 0 : i32
      %dma_start3A_100 = arith.constant 0 : i32
      %dma_start3A_101 = tpu.memref_slice %arg5[%add3A_98, %dma_start3A_99, %dma_start3A_100] : memref<16384x50x64xf32, #tpu.memory_space<hbm>> -> memref<1x50x64xf32, #tpu.memory_space<hbm>>
      %dma_start3A_102 = tpu.memref_squeeze %dma_start3A_101 : memref<1x50x64xf32, #tpu.memory_space<hbm>> -> memref<50x64xf32, #tpu.memory_space<hbm>>
      %dma_start3A_103 = arith.constant 0 : i32
      %dma_start3A_104 = arith.constant 0 : i32
      %dma_start3A_105 = tpu.memref_slice %arg5[%add3A_98, %dma_start3A_103, %dma_start3A_104] : memref<16384x50x64xf32, #tpu.memory_space<hbm>> -> memref<1x50x64xf32, #tpu.memory_space<hbm>>
      %dma_start3A_106 = tpu.memref_squeeze %dma_start3A_105 : memref<1x50x64xf32, #tpu.memory_space<hbm>> -> memref<50x64xf32, #tpu.memory_space<hbm>>
      tpu.enqueue_dma source(%arg12 : memref<50x64xf32, #tpu.memory_space<vmem>>) target(%dma_start3A_106 : memref<50x64xf32, #tpu.memory_space<hbm>>) target_semaphore(%arg20 : memref<!tpu.dma_semaphore, #tpu.memory_space<semaphore_mem>>)
      %dma_wait3A_107 = arith.constant 0 : i32
      %dma_wait3A_108 = arith.constant 0 : i32
      %dma_wait3A_109 = tpu.memref_slice %arg6[%dma_wait3A_107, %dma_wait3A_108] : memref<512x50xi32, #tpu.memory_space<vmem>> -> memref<1x50xi32, #tpu.memory_space<vmem>>
      %dma_wait3A_110 = tpu.memref_squeeze %dma_wait3A_109 : memref<1x50xi32, #tpu.memory_space<vmem>> -> memref<50xi32, #tpu.memory_space<vmem>>
      %dma_wait3A_111 = arith.constant 0 : i32
      %dma_wait3A_112 = arith.constant 0 : i32
      %dma_wait3A_113 = tpu.memref_slice %arg2[%dma_wait3A_111, %dma_wait3A_112] : memref<1000000x128xf32, #tpu.memory_space<hbm>> -> memref<1000000x128xf32, #tpu.memory_space<hbm>>
      tpu.wait_indirect_dma semaphore(%arg17 : memref<!tpu.dma_semaphore, #tpu.memory_space<semaphore_mem>>) src(%dma_wait3A_113 : memref<1000000x128xf32, #tpu.memory_space<hbm>>) dst(%arg9 : memref<50x128xf32, #tpu.memory_space<vmem>>)
      %gt3A_114 = arith.constant 0 : i32
      %gt3A_115 = arith.cmpi sgt, %scan3A_72, %gt3A_114 : i32
      %convert_element_type3A_116 = arith.extui %gt3A_115 : i1 to i32
      %cond3A_117 = arith.constant 0 : i32
      %cond3A_118 = arith.cmpi ne, %convert_element_type3A_116, %cond3A_117 : i32
      scf.if %cond3A_118 {
        %dma_wait3A_213 = arith.constant 0 : i32
        %dma_wait3A_214 = arith.constant 0 : i32
        %dma_wait3A_215 = arith.constant 0 : i32
        %dma_wait3A_216 = tpu.memref_slice %arg5[%dma_wait3A_213, %dma_wait3A_214, %dma_wait3A_215] : memref<16384x50x64xf32, #tpu.memory_space<hbm>> -> memref<1x50x64xf32, #tpu.memory_space<hbm>>
        %dma_wait3A_217 = tpu.memref_squeeze %dma_wait3A_216 : memref<1x50x64xf32, #tpu.memory_space<hbm>> -> memref<50x64xf32, #tpu.memory_space<hbm>>
        %dma_wait3A_218 = arith.constant 0 : i32
        %dma_wait3A_219 = arith.constant 0 : i32
        %dma_wait3A_220 = tpu.memref_slice %arg5[%dma_wait3A_213, %dma_wait3A_218, %dma_wait3A_219] : memref<16384x50x64xf32, #tpu.memory_space<hbm>> -> memref<1x50x64xf32, #tpu.memory_space<hbm>>
        %dma_wait3A_221 = tpu.memref_squeeze %dma_wait3A_220 : memref<1x50x64xf32, #tpu.memory_space<hbm>> -> memref<50x64xf32, #tpu.memory_space<hbm>>
        tpu.wait_dma2 semaphore(%arg21 : memref<!tpu.dma_semaphore, #tpu.memory_space<semaphore_mem>>) src(%arg13 : memref<50x64xf32, #tpu.memory_space<vmem>>) dst(%dma_wait3A_221 : memref<50x64xf32, #tpu.memory_space<hbm>>)
      } else {
      }
      %scan3A_119 = arith.constant 0 : i32
      %scan3A_120 = arith.constant 0 : i32
      %scan3A_121 = arith.constant 50 : i32
      %scan3A_122 = arith.addi %scan3A_120, %scan3A_121 : i32
      %scan3A_123 = arith.constant 1 : i32
      %scan3A_124 = scf.for %scan3A_213 = %scan3A_120 to %scan3A_122 step %scan3A_123 iter_args(%scan3A_214 = %scan3A_119) -> (i32)  : i32 {
        %get3A_215 = arith.index_cast %scan3A_213 : i32 to index
        %get3A_216 = arith.constant 0 : index
        %get3A_217 = tpu.vector_load %arg9[%get3A_215, %get3A_216] {strides = array<i32>} : memref<50x128xf32, #tpu.memory_space<vmem>>, vector<16xf32>,
        %mul3A_218 = arith.mulf %get3A_217, %get3A_3 : vector<16xf32>
        %swap3A = arith.index_cast %scan3A_213 : i32 to index
        %swap3A_219 = arith.constant 0 : index
        %swap3A_220 = tpu.vector_load %arg13[%swap3A, %swap3A_219] {strides = array<i32>} : memref<50x64xf32, #tpu.memory_space<vmem>>, vector<16xf32>,
        tpu.vector_store %arg13[%swap3A, %swap3A_219], %mul3A_218 {strides = array<i32>} : memref<50x64xf32, #tpu.memory_space<vmem>>, vector<16xf32>,
        %get3A_221 = arith.index_cast %scan3A_213 : i32 to index
        %get3A_222 = arith.constant 16 : index
        %get3A_223 = tpu.vector_load %arg9[%get3A_221, %get3A_222] {strides = array<i32>} : memref<50x128xf32, #tpu.memory_space<vmem>>, vector<16xf32>,
        %mul3A_224 = arith.mulf %get3A_223, %get3A_3 : vector<16xf32>
        %swap3A_225 = arith.index_cast %scan3A_213 : i32 to index
        %swap3A_226 = arith.constant 16 : index
        %swap3A_227 = tpu.vector_load %arg13[%swap3A_225, %swap3A_226] {strides = array<i32>} : memref<50x64xf32, #tpu.memory_space<vmem>>, vector<16xf32>,
        tpu.vector_store %arg13[%swap3A_225, %swap3A_226], %mul3A_224 {strides = array<i32>} : memref<50x64xf32, #tpu.memory_space<vmem>>, vector<16xf32>,
        %get3A_228 = arith.index_cast %scan3A_213 : i32 to index
        %get3A_229 = arith.constant 32 : index
        %get3A_230 = tpu.vector_load %arg9[%get3A_228, %get3A_229] {strides = array<i32>} : memref<50x128xf32, #tpu.memory_space<vmem>>, vector<16xf32>,
        %mul3A_231 = arith.mulf %get3A_230, %get3A_3 : vector<16xf32>
        %swap3A_232 = arith.index_cast %scan3A_213 : i32 to index
        %swap3A_233 = arith.constant 32 : index
        %swap3A_234 = tpu.vector_load %arg13[%swap3A_232, %swap3A_233] {strides = array<i32>} : memref<50x64xf32, #tpu.memory_space<vmem>>, vector<16xf32>,
        tpu.vector_store %arg13[%swap3A_232, %swap3A_233], %mul3A_231 {strides = array<i32>} : memref<50x64xf32, #tpu.memory_space<vmem>>, vector<16xf32>,
        %get3A_235 = arith.index_cast %scan3A_213 : i32 to index
        %get3A_236 = arith.constant 48 : index
        %get3A_237 = tpu.vector_load %arg9[%get3A_235, %get3A_236] {strides = array<i32>} : memref<50x128xf32, #tpu.memory_space<vmem>>, vector<16xf32>,
        %mul3A_238 = arith.mulf %get3A_237, %get3A_3 : vector<16xf32>
        %swap3A_239 = arith.index_cast %scan3A_213 : i32 to index
        %swap3A_240 = arith.constant 48 : index
        %swap3A_241 = tpu.vector_load %arg13[%swap3A_239, %swap3A_240] {strides = array<i32>} : memref<50x64xf32, #tpu.memory_space<vmem>>, vector<16xf32>,
        tpu.vector_store %arg13[%swap3A_239, %swap3A_240], %mul3A_238 {strides = array<i32>} : memref<50x64xf32, #tpu.memory_space<vmem>>, vector<16xf32>,
        %scan3A_242 = arith.constant 0 : i32
        scf.yield %scan3A_242 : i32
      }
      %scan3A_125 = arith.constant 50 : i32
      %lt3A_126 = arith.constant 127 : i32
      %lt3A_127 = arith.cmpi slt, %scan3A_72, %lt3A_126 : i32
      %convert_element_type3A_128 = arith.extui %lt3A_127 : i1 to i32
      %cond3A_129 = arith.constant 0 : i32
      %cond3A_130 = arith.cmpi ne, %convert_element_type3A_128, %cond3A_129 : i32
      scf.if %cond3A_130 {
        %add3A_213 = arith.constant 4 : i32
        %add3A_214 = arith.addi %mul3A_75, %add3A_213 : i32
        %add3A_215 = arith.constant 1 : i32
        %add3A_216 = arith.addi %add3A_214, %add3A_215 : i32
        %dma_start3A_217 = arith.constant 0 : i32
        %dma_start3A_218 = tpu.memref_slice %arg6[%add3A_216, %dma_start3A_217] : memref<512x50xi32, #tpu.memory_space<vmem>> -> memref<1x50xi32, #tpu.memory_space<vmem>>
        %dma_start3A_219 = tpu.memref_squeeze %dma_start3A_218 : memref<1x50xi32, #tpu.memory_space<vmem>> -> memref<50xi32, #tpu.memory_space<vmem>>
        %dma_start3A_220 = arith.constant 0 : i32
        %dma_start3A_221 = arith.constant 0 : i32
        %dma_start3A_222 = tpu.memref_slice %arg2[%dma_start3A_220, %dma_start3A_221] : memref<1000000x128xf32, #tpu.memory_space<hbm>> -> memref<1000000x128xf32, #tpu.memory_space<hbm>>
        tpu.enqueue_indirect_dma source(%dma_start3A_222 : memref<1000000x128xf32, #tpu.memory_space<hbm>>) target(%arg9 : memref<50x128xf32, #tpu.memory_space<vmem>>) offsets(%dma_start3A_219 : memref<50xi32, #tpu.memory_space<vmem>>) semaphore(%arg17 : memref<!tpu.dma_semaphore, #tpu.memory_space<semaphore_mem>>)
      } else {
      }
      %add3A_131 = arith.constant 1 : i32
      %add3A_132 = arith.addi %mul3A_75, %add3A_131 : i32
      %add3A_133 = arith.addi %mul3A_2, %add3A_132 : i32
      %dma_start3A_134 = arith.constant 0 : i32
      %dma_start3A_135 = arith.constant 0 : i32
      %dma_start3A_136 = tpu.memref_slice %arg5[%add3A_133, %dma_start3A_134, %dma_start3A_135] : memref<16384x50x64xf32, #tpu.memory_space<hbm>> -> memref<1x50x64xf32, #tpu.memory_space<hbm>>
      %dma_start3A_137 = tpu.memref_squeeze %dma_start3A_136 : memref<1x50x64xf32, #tpu.memory_space<hbm>> -> memref<50x64xf32, #tpu.memory_space<hbm>>
      %dma_start3A_138 = arith.constant 0 : i32
      %dma_start3A_139 = arith.constant 0 : i32
      %dma_start3A_140 = tpu.memref_slice %arg5[%add3A_133, %dma_start3A_138, %dma_start3A_139] : memref<16384x50x64xf32, #tpu.memory_space<hbm>> -> memref<1x50x64xf32, #tpu.memory_space<hbm>>
      %dma_start3A_141 = tpu.memref_squeeze %dma_start3A_140 : memref<1x50x64xf32, #tpu.memory_space<hbm>> -> memref<50x64xf32, #tpu.memory_space<hbm>>
      tpu.enqueue_dma source(%arg13 : memref<50x64xf32, #tpu.memory_space<vmem>>) target(%dma_start3A_141 : memref<50x64xf32, #tpu.memory_space<hbm>>) target_semaphore(%arg21 : memref<!tpu.dma_semaphore, #tpu.memory_space<semaphore_mem>>)
      %dma_wait3A_142 = arith.constant 0 : i32
      %dma_wait3A_143 = arith.constant 0 : i32
      %dma_wait3A_144 = tpu.memref_slice %arg6[%dma_wait3A_142, %dma_wait3A_143] : memref<512x50xi32, #tpu.memory_space<vmem>> -> memref<1x50xi32, #tpu.memory_space<vmem>>
      %dma_wait3A_145 = tpu.memref_squeeze %dma_wait3A_144 : memref<1x50xi32, #tpu.memory_space<vmem>> -> memref<50xi32, #tpu.memory_space<vmem>>
      %dma_wait3A_146 = arith.constant 0 : i32
      %dma_wait3A_147 = arith.constant 0 : i32
      %dma_wait3A_148 = tpu.memref_slice %arg2[%dma_wait3A_146, %dma_wait3A_147] : memref<1000000x128xf32, #tpu.memory_space<hbm>> -> memref<1000000x128xf32, #tpu.memory_space<hbm>>
      tpu.wait_indirect_dma semaphore(%arg18 : memref<!tpu.dma_semaphore, #tpu.memory_space<semaphore_mem>>) src(%dma_wait3A_148 : memref<1000000x128xf32, #tpu.memory_space<hbm>>) dst(%arg10 : memref<50x128xf32, #tpu.memory_space<vmem>>)
      %gt3A_149 = arith.constant 0 : i32
      %gt3A_150 = arith.cmpi sgt, %scan3A_72, %gt3A_149 : i32
      %convert_element_type3A_151 = arith.extui %gt3A_150 : i1 to i32
      %cond3A_152 = arith.constant 0 : i32
      %cond3A_153 = arith.cmpi ne, %convert_element_type3A_151, %cond3A_152 : i32
      scf.if %cond3A_153 {
        %dma_wait3A_213 = arith.constant 0 : i32
        %dma_wait3A_214 = arith.constant 0 : i32
        %dma_wait3A_215 = arith.constant 0 : i32
        %dma_wait3A_216 = tpu.memref_slice %arg5[%dma_wait3A_213, %dma_wait3A_214, %dma_wait3A_215] : memref<16384x50x64xf32, #tpu.memory_space<hbm>> -> memref<1x50x64xf32, #tpu.memory_space<hbm>>
        %dma_wait3A_217 = tpu.memref_squeeze %dma_wait3A_216 : memref<1x50x64xf32, #tpu.memory_space<hbm>> -> memref<50x64xf32, #tpu.memory_space<hbm>>
        %dma_wait3A_218 = arith.constant 0 : i32
        %dma_wait3A_219 = arith.constant 0 : i32
        %dma_wait3A_220 = tpu.memref_slice %arg5[%dma_wait3A_213, %dma_wait3A_218, %dma_wait3A_219] : memref<16384x50x64xf32, #tpu.memory_space<hbm>> -> memref<1x50x64xf32, #tpu.memory_space<hbm>>
        %dma_wait3A_221 = tpu.memref_squeeze %dma_wait3A_220 : memref<1x50x64xf32, #tpu.memory_space<hbm>> -> memref<50x64xf32, #tpu.memory_space<hbm>>
        tpu.wait_dma2 semaphore(%arg22 : memref<!tpu.dma_semaphore, #tpu.memory_space<semaphore_mem>>) src(%arg14 : memref<50x64xf32, #tpu.memory_space<vmem>>) dst(%dma_wait3A_221 : memref<50x64xf32, #tpu.memory_space<hbm>>)
      } else {
      }
      %scan3A_154 = arith.constant 0 : i32
      %scan3A_155 = arith.constant 0 : i32
      %scan3A_156 = arith.constant 50 : i32
      %scan3A_157 = arith.addi %scan3A_155, %scan3A_156 : i32
      %scan3A_158 = arith.constant 1 : i32
      %scan3A_159 = scf.for %scan3A_213 = %scan3A_155 to %scan3A_157 step %scan3A_158 iter_args(%scan3A_214 = %scan3A_154) -> (i32)  : i32 {
        %get3A_215 = arith.index_cast %scan3A_213 : i32 to index
        %get3A_216 = arith.constant 0 : index
        %get3A_217 = tpu.vector_load %arg10[%get3A_215, %get3A_216] {strides = array<i32>} : memref<50x128xf32, #tpu.memory_space<vmem>>, vector<16xf32>,
        %mul3A_218 = arith.mulf %get3A_217, %get3A_3 : vector<16xf32>
        %swap3A = arith.index_cast %scan3A_213 : i32 to index
        %swap3A_219 = arith.constant 0 : index
        %swap3A_220 = tpu.vector_load %arg14[%swap3A, %swap3A_219] {strides = array<i32>} : memref<50x64xf32, #tpu.memory_space<vmem>>, vector<16xf32>,
        tpu.vector_store %arg14[%swap3A, %swap3A_219], %mul3A_218 {strides = array<i32>} : memref<50x64xf32, #tpu.memory_space<vmem>>, vector<16xf32>,
        %get3A_221 = arith.index_cast %scan3A_213 : i32 to index
        %get3A_222 = arith.constant 16 : index
        %get3A_223 = tpu.vector_load %arg10[%get3A_221, %get3A_222] {strides = array<i32>} : memref<50x128xf32, #tpu.memory_space<vmem>>, vector<16xf32>,
        %mul3A_224 = arith.mulf %get3A_223, %get3A_3 : vector<16xf32>
        %swap3A_225 = arith.index_cast %scan3A_213 : i32 to index
        %swap3A_226 = arith.constant 16 : index
        %swap3A_227 = tpu.vector_load %arg14[%swap3A_225, %swap3A_226] {strides = array<i32>} : memref<50x64xf32, #tpu.memory_space<vmem>>, vector<16xf32>,
        tpu.vector_store %arg14[%swap3A_225, %swap3A_226], %mul3A_224 {strides = array<i32>} : memref<50x64xf32, #tpu.memory_space<vmem>>, vector<16xf32>,
        %get3A_228 = arith.index_cast %scan3A_213 : i32 to index
        %get3A_229 = arith.constant 32 : index
        %get3A_230 = tpu.vector_load %arg10[%get3A_228, %get3A_229] {strides = array<i32>} : memref<50x128xf32, #tpu.memory_space<vmem>>, vector<16xf32>,
        %mul3A_231 = arith.mulf %get3A_230, %get3A_3 : vector<16xf32>
        %swap3A_232 = arith.index_cast %scan3A_213 : i32 to index
        %swap3A_233 = arith.constant 32 : index
        %swap3A_234 = tpu.vector_load %arg14[%swap3A_232, %swap3A_233] {strides = array<i32>} : memref<50x64xf32, #tpu.memory_space<vmem>>, vector<16xf32>,
        tpu.vector_store %arg14[%swap3A_232, %swap3A_233], %mul3A_231 {strides = array<i32>} : memref<50x64xf32, #tpu.memory_space<vmem>>, vector<16xf32>,
        %get3A_235 = arith.index_cast %scan3A_213 : i32 to index
        %get3A_236 = arith.constant 48 : index
        %get3A_237 = tpu.vector_load %arg10[%get3A_235, %get3A_236] {strides = array<i32>} : memref<50x128xf32, #tpu.memory_space<vmem>>, vector<16xf32>,
        %mul3A_238 = arith.mulf %get3A_237, %get3A_3 : vector<16xf32>
        %swap3A_239 = arith.index_cast %scan3A_213 : i32 to index
        %swap3A_240 = arith.constant 48 : index
        %swap3A_241 = tpu.vector_load %arg14[%swap3A_239, %swap3A_240] {strides = array<i32>} : memref<50x64xf32, #tpu.memory_space<vmem>>, vector<16xf32>,
        tpu.vector_store %arg14[%swap3A_239, %swap3A_240], %mul3A_238 {strides = array<i32>} : memref<50x64xf32, #tpu.memory_space<vmem>>, vector<16xf32>,
        %scan3A_242 = arith.constant 0 : i32
        scf.yield %scan3A_242 : i32
      }
      %scan3A_160 = arith.constant 50 : i32
      %lt3A_161 = arith.constant 127 : i32
      %lt3A_162 = arith.cmpi slt, %scan3A_72, %lt3A_161 : i32
      %convert_element_type3A_163 = arith.extui %lt3A_162 : i1 to i32
      %cond3A_164 = arith.constant 0 : i32
      %cond3A_165 = arith.cmpi ne, %convert_element_type3A_163, %cond3A_164 : i32
      scf.if %cond3A_165 {
        %add3A_213 = arith.constant 4 : i32
        %add3A_214 = arith.addi %mul3A_75, %add3A_213 : i32
        %add3A_215 = arith.constant 2 : i32
        %add3A_216 = arith.addi %add3A_214, %add3A_215 : i32
        %dma_start3A_217 = arith.constant 0 : i32
        %dma_start3A_218 = tpu.memref_slice %arg6[%add3A_216, %dma_start3A_217] : memref<512x50xi32, #tpu.memory_space<vmem>> -> memref<1x50xi32, #tpu.memory_space<vmem>>
        %dma_start3A_219 = tpu.memref_squeeze %dma_start3A_218 : memref<1x50xi32, #tpu.memory_space<vmem>> -> memref<50xi32, #tpu.memory_space<vmem>>
        %dma_start3A_220 = arith.constant 0 : i32
        %dma_start3A_221 = arith.constant 0 : i32
        %dma_start3A_222 = tpu.memref_slice %arg2[%dma_start3A_220, %dma_start3A_221] : memref<1000000x128xf32, #tpu.memory_space<hbm>> -> memref<1000000x128xf32, #tpu.memory_space<hbm>>
        tpu.enqueue_indirect_dma source(%dma_start3A_222 : memref<1000000x128xf32, #tpu.memory_space<hbm>>) target(%arg10 : memref<50x128xf32, #tpu.memory_space<vmem>>) offsets(%dma_start3A_219 : memref<50xi32, #tpu.memory_space<vmem>>) semaphore(%arg18 : memref<!tpu.dma_semaphore, #tpu.memory_space<semaphore_mem>>)
      } else {
      }
      %add3A_166 = arith.constant 2 : i32
      %add3A_167 = arith.addi %mul3A_75, %add3A_166 : i32
      %add3A_168 = arith.addi %mul3A_2, %add3A_167 : i32
      %dma_start3A_169 = arith.constant 0 : i32
      %dma_start3A_170 = arith.constant 0 : i32
      %dma_start3A_171 = tpu.memref_slice %arg5[%add3A_168, %dma_start3A_169, %dma_start3A_170] : memref<16384x50x64xf32, #tpu.memory_space<hbm>> -> memref<1x50x64xf32, #tpu.memory_space<hbm>>
      %dma_start3A_172 = tpu.memref_squeeze %dma_start3A_171 : memref<1x50x64xf32, #tpu.memory_space<hbm>> -> memref<50x64xf32, #tpu.memory_space<hbm>>
      %dma_start3A_173 = arith.constant 0 : i32
      %dma_start3A_174 = arith.constant 0 : i32
      %dma_start3A_175 = tpu.memref_slice %arg5[%add3A_168, %dma_start3A_173, %dma_start3A_174] : memref<16384x50x64xf32, #tpu.memory_space<hbm>> -> memref<1x50x64xf32, #tpu.memory_space<hbm>>
      %dma_start3A_176 = tpu.memref_squeeze %dma_start3A_175 : memref<1x50x64xf32, #tpu.memory_space<hbm>> -> memref<50x64xf32, #tpu.memory_space<hbm>>
      tpu.enqueue_dma source(%arg14 : memref<50x64xf32, #tpu.memory_space<vmem>>) target(%dma_start3A_176 : memref<50x64xf32, #tpu.memory_space<hbm>>) target_semaphore(%arg22 : memref<!tpu.dma_semaphore, #tpu.memory_space<semaphore_mem>>)
      %dma_wait3A_177 = arith.constant 0 : i32
      %dma_wait3A_178 = arith.constant 0 : i32
      %dma_wait3A_179 = tpu.memref_slice %arg6[%dma_wait3A_177, %dma_wait3A_178] : memref<512x50xi32, #tpu.memory_space<vmem>> -> memref<1x50xi32, #tpu.memory_space<vmem>>
      %dma_wait3A_180 = tpu.memref_squeeze %dma_wait3A_179 : memref<1x50xi32, #tpu.memory_space<vmem>> -> memref<50xi32, #tpu.memory_space<vmem>>
      %dma_wait3A_181 = arith.constant 0 : i32
      %dma_wait3A_182 = arith.constant 0 : i32
      %dma_wait3A_183 = tpu.memref_slice %arg2[%dma_wait3A_181, %dma_wait3A_182] : memref<1000000x128xf32, #tpu.memory_space<hbm>> -> memref<1000000x128xf32, #tpu.memory_space<hbm>>
      tpu.wait_indirect_dma semaphore(%arg19 : memref<!tpu.dma_semaphore, #tpu.memory_space<semaphore_mem>>) src(%dma_wait3A_183 : memref<1000000x128xf32, #tpu.memory_space<hbm>>) dst(%arg11 : memref<50x128xf32, #tpu.memory_space<vmem>>)
      %gt3A_184 = arith.constant 0 : i32
      %gt3A_185 = arith.cmpi sgt, %scan3A_72, %gt3A_184 : i32
      %convert_element_type3A_186 = arith.extui %gt3A_185 : i1 to i32
      %cond3A_187 = arith.constant 0 : i32
      %cond3A_188 = arith.cmpi ne, %convert_element_type3A_186, %cond3A_187 : i32
      scf.if %cond3A_188 {
        %dma_wait3A_213 = arith.constant 0 : i32
        %dma_wait3A_214 = arith.constant 0 : i32
        %dma_wait3A_215 = arith.constant 0 : i32
        %dma_wait3A_216 = tpu.memref_slice %arg5[%dma_wait3A_213, %dma_wait3A_214, %dma_wait3A_215] : memref<16384x50x64xf32, #tpu.memory_space<hbm>> -> memref<1x50x64xf32, #tpu.memory_space<hbm>>
        %dma_wait3A_217 = tpu.memref_squeeze %dma_wait3A_216 : memref<1x50x64xf32, #tpu.memory_space<hbm>> -> memref<50x64xf32, #tpu.memory_space<hbm>>
        %dma_wait3A_218 = arith.constant 0 : i32
        %dma_wait3A_219 = arith.constant 0 : i32
        %dma_wait3A_220 = tpu.memref_slice %arg5[%dma_wait3A_213, %dma_wait3A_218, %dma_wait3A_219] : memref<16384x50x64xf32, #tpu.memory_space<hbm>> -> memref<1x50x64xf32, #tpu.memory_space<hbm>>
        %dma_wait3A_221 = tpu.memref_squeeze %dma_wait3A_220 : memref<1x50x64xf32, #tpu.memory_space<hbm>> -> memref<50x64xf32, #tpu.memory_space<hbm>>
        tpu.wait_dma2 semaphore(%arg23 : memref<!tpu.dma_semaphore, #tpu.memory_space<semaphore_mem>>) src(%arg15 : memref<50x64xf32, #tpu.memory_space<vmem>>) dst(%dma_wait3A_221 : memref<50x64xf32, #tpu.memory_space<hbm>>)
      } else {
      }
      %scan3A_189 = arith.constant 0 : i32
      %scan3A_190 = arith.constant 0 : i32
      %scan3A_191 = arith.constant 50 : i32
      %scan3A_192 = arith.addi %scan3A_190, %scan3A_191 : i32
      %scan3A_193 = arith.constant 1 : i32
      %scan3A_194 = scf.for %scan3A_213 = %scan3A_190 to %scan3A_192 step %scan3A_193 iter_args(%scan3A_214 = %scan3A_189) -> (i32)  : i32 {
        %get3A_215 = arith.index_cast %scan3A_213 : i32 to index
        %get3A_216 = arith.constant 0 : index
        %get3A_217 = tpu.vector_load %arg11[%get3A_215, %get3A_216] {strides = array<i32>} : memref<50x128xf32, #tpu.memory_space<vmem>>, vector<16xf32>,
        %mul3A_218 = arith.mulf %get3A_217, %get3A_3 : vector<16xf32>
        %swap3A = arith.index_cast %scan3A_213 : i32 to index
        %swap3A_219 = arith.constant 0 : index
        %swap3A_220 = tpu.vector_load %arg15[%swap3A, %swap3A_219] {strides = array<i32>} : memref<50x64xf32, #tpu.memory_space<vmem>>, vector<16xf32>,
        tpu.vector_store %arg15[%swap3A, %swap3A_219], %mul3A_218 {strides = array<i32>} : memref<50x64xf32, #tpu.memory_space<vmem>>, vector<16xf32>,
        %get3A_221 = arith.index_cast %scan3A_213 : i32 to index
        %get3A_222 = arith.constant 16 : index
        %get3A_223 = tpu.vector_load %arg11[%get3A_221, %get3A_222] {strides = array<i32>} : memref<50x128xf32, #tpu.memory_space<vmem>>, vector<16xf32>,
        %mul3A_224 = arith.mulf %get3A_223, %get3A_3 : vector<16xf32>
        %swap3A_225 = arith.index_cast %scan3A_213 : i32 to index
        %swap3A_226 = arith.constant 16 : index
        %swap3A_227 = tpu.vector_load %arg15[%swap3A_225, %swap3A_226] {strides = array<i32>} : memref<50x64xf32, #tpu.memory_space<vmem>>, vector<16xf32>,
        tpu.vector_store %arg15[%swap3A_225, %swap3A_226], %mul3A_224 {strides = array<i32>} : memref<50x64xf32, #tpu.memory_space<vmem>>, vector<16xf32>,
        %get3A_228 = arith.index_cast %scan3A_213 : i32 to index
        %get3A_229 = arith.constant 32 : index
        %get3A_230 = tpu.vector_load %arg11[%get3A_228, %get3A_229] {strides = array<i32>} : memref<50x128xf32, #tpu.memory_space<vmem>>, vector<16xf32>,
        %mul3A_231 = arith.mulf %get3A_230, %get3A_3 : vector<16xf32>
        %swap3A_232 = arith.index_cast %scan3A_213 : i32 to index
        %swap3A_233 = arith.constant 32 : index
        %swap3A_234 = tpu.vector_load %arg15[%swap3A_232, %swap3A_233] {strides = array<i32>} : memref<50x64xf32, #tpu.memory_space<vmem>>, vector<16xf32>,
        tpu.vector_store %arg15[%swap3A_232, %swap3A_233], %mul3A_231 {strides = array<i32>} : memref<50x64xf32, #tpu.memory_space<vmem>>, vector<16xf32>,
        %get3A_235 = arith.index_cast %scan3A_213 : i32 to index
        %get3A_236 = arith.constant 48 : index
        %get3A_237 = tpu.vector_load %arg11[%get3A_235, %get3A_236] {strides = array<i32>} : memref<50x128xf32, #tpu.memory_space<vmem>>, vector<16xf32>,
        %mul3A_238 = arith.mulf %get3A_237, %get3A_3 : vector<16xf32>
        %swap3A_239 = arith.index_cast %scan3A_213 : i32 to index
        %swap3A_240 = arith.constant 48 : index
        %swap3A_241 = tpu.vector_load %arg15[%swap3A_239, %swap3A_240] {strides = array<i32>} : memref<50x64xf32, #tpu.memory_space<vmem>>, vector<16xf32>,
        tpu.vector_store %arg15[%swap3A_239, %swap3A_240], %mul3A_238 {strides = array<i32>} : memref<50x64xf32, #tpu.memory_space<vmem>>, vector<16xf32>,
        %scan3A_242 = arith.constant 0 : i32
        scf.yield %scan3A_242 : i32
      }
      %scan3A_195 = arith.constant 50 : i32
      %lt3A_196 = arith.constant 127 : i32
      %lt3A_197 = arith.cmpi slt, %scan3A_72, %lt3A_196 : i32
      %convert_element_type3A_198 = arith.extui %lt3A_197 : i1 to i32
      %cond3A_199 = arith.constant 0 : i32
      %cond3A_200 = arith.cmpi ne, %convert_element_type3A_198, %cond3A_199 : i32
      scf.if %cond3A_200 {
        %add3A_213 = arith.constant 4 : i32
        %add3A_214 = arith.addi %mul3A_75, %add3A_213 : i32
        %add3A_215 = arith.constant 3 : i32
        %add3A_216 = arith.addi %add3A_214, %add3A_215 : i32
        %dma_start3A_217 = arith.constant 0 : i32
        %dma_start3A_218 = tpu.memref_slice %arg6[%add3A_216, %dma_start3A_217] : memref<512x50xi32, #tpu.memory_space<vmem>> -> memref<1x50xi32, #tpu.memory_space<vmem>>
        %dma_start3A_219 = tpu.memref_squeeze %dma_start3A_218 : memref<1x50xi32, #tpu.memory_space<vmem>> -> memref<50xi32, #tpu.memory_space<vmem>>
        %dma_start3A_220 = arith.constant 0 : i32
        %dma_start3A_221 = arith.constant 0 : i32
        %dma_start3A_222 = tpu.memref_slice %arg2[%dma_start3A_220, %dma_start3A_221] : memref<1000000x128xf32, #tpu.memory_space<hbm>> -> memref<1000000x128xf32, #tpu.memory_space<hbm>>
        tpu.enqueue_indirect_dma source(%dma_start3A_222 : memref<1000000x128xf32, #tpu.memory_space<hbm>>) target(%arg11 : memref<50x128xf32, #tpu.memory_space<vmem>>) offsets(%dma_start3A_219 : memref<50xi32, #tpu.memory_space<vmem>>) semaphore(%arg19 : memref<!tpu.dma_semaphore, #tpu.memory_space<semaphore_mem>>)
      } else {
      }
      %add3A_201 = arith.constant 3 : i32
      %add3A_202 = arith.addi %mul3A_75, %add3A_201 : i32
      %add3A_203 = arith.addi %mul3A_2, %add3A_202 : i32
      %dma_start3A_204 = arith.constant 0 : i32
      %dma_start3A_205 = arith.constant 0 : i32
      %dma_start3A_206 = tpu.memref_slice %arg5[%add3A_203, %dma_start3A_204, %dma_start3A_205] : memref<16384x50x64xf32, #tpu.memory_space<hbm>> -> memref<1x50x64xf32, #tpu.memory_space<hbm>>
      %dma_start3A_207 = tpu.memref_squeeze %dma_start3A_206 : memref<1x50x64xf32, #tpu.memory_space<hbm>> -> memref<50x64xf32, #tpu.memory_space<hbm>>
      %dma_start3A_208 = arith.constant 0 : i32
      %dma_start3A_209 = arith.constant 0 : i32
      %dma_start3A_210 = tpu.memref_slice %arg5[%add3A_203, %dma_start3A_208, %dma_start3A_209] : memref<16384x50x64xf32, #tpu.memory_space<hbm>> -> memref<1x50x64xf32, #tpu.memory_space<hbm>>
      %dma_start3A_211 = tpu.memref_squeeze %dma_start3A_210 : memref<1x50x64xf32, #tpu.memory_space<hbm>> -> memref<50x64xf32, #tpu.memory_space<hbm>>
      tpu.enqueue_dma source(%arg15 : memref<50x64xf32, #tpu.memory_space<vmem>>) target(%dma_start3A_211 : memref<50x64xf32, #tpu.memory_space<hbm>>) target_semaphore(%arg23 : memref<!tpu.dma_semaphore, #tpu.memory_space<semaphore_mem>>)
      %scan3A_212 = arith.constant 0 : i32
      scf.yield %scan3A_212 : i32
    }
    %scan3A_36 = arith.constant 128 : i32
    %dma_wait3A = arith.constant 0 : i32
    %dma_wait3A_37 = arith.constant 0 : i32
    %dma_wait3A_38 = arith.constant 0 : i32
    %dma_wait3A_39 = tpu.memref_slice %arg5[%dma_wait3A, %dma_wait3A_37, %dma_wait3A_38] : memref<16384x50x64xf32, #tpu.memory_space<hbm>> -> memref<1x50x64xf32, #tpu.memory_space<hbm>>
    %dma_wait3A_40 = tpu.memref_squeeze %dma_wait3A_39 : memref<1x50x64xf32, #tpu.memory_space<hbm>> -> memref<50x64xf32, #tpu.memory_space<hbm>>
    %dma_wait3A_41 = arith.constant 0 : i32
    %dma_wait3A_42 = arith.constant 0 : i32
    %dma_wait3A_43 = tpu.memref_slice %arg5[%dma_wait3A, %dma_wait3A_41, %dma_wait3A_42] : memref<16384x50x64xf32, #tpu.memory_space<hbm>> -> memref<1x50x64xf32, #tpu.memory_space<hbm>>
    %dma_wait3A_44 = tpu.memref_squeeze %dma_wait3A_43 : memref<1x50x64xf32, #tpu.memory_space<hbm>> -> memref<50x64xf32, #tpu.memory_space<hbm>>
    tpu.wait_dma2 semaphore(%arg20 : memref<!tpu.dma_semaphore, #tpu.memory_space<semaphore_mem>>) src(%arg12 : memref<50x64xf32, #tpu.memory_space<vmem>>) dst(%dma_wait3A_44 : memref<50x64xf32, #tpu.memory_space<hbm>>)
    %dma_wait3A_45 = arith.constant 0 : i32
    %dma_wait3A_46 = arith.constant 0 : i32
    %dma_wait3A_47 = arith.constant 0 : i32
    %dma_wait3A_48 = tpu.memref_slice %arg5[%dma_wait3A_45, %dma_wait3A_46, %dma_wait3A_47] : memref<16384x50x64xf32, #tpu.memory_space<hbm>> -> memref<1x50x64xf32, #tpu.memory_space<hbm>>
    %dma_wait3A_49 = tpu.memref_squeeze %dma_wait3A_48 : memref<1x50x64xf32, #tpu.memory_space<hbm>> -> memref<50x64xf32, #tpu.memory_space<hbm>>
    %dma_wait3A_50 = arith.constant 0 : i32
    %dma_wait3A_51 = arith.constant 0 : i32
    %dma_wait3A_52 = tpu.memref_slice %arg5[%dma_wait3A_45, %dma_wait3A_50, %dma_wait3A_51] : memref<16384x50x64xf32, #tpu.memory_space<hbm>> -> memref<1x50x64xf32, #tpu.memory_space<hbm>>
    %dma_wait3A_53 = tpu.memref_squeeze %dma_wait3A_52 : memref<1x50x64xf32, #tpu.memory_space<hbm>> -> memref<50x64xf32, #tpu.memory_space<hbm>>
    tpu.wait_dma2 semaphore(%arg21 : memref<!tpu.dma_semaphore, #tpu.memory_space<semaphore_mem>>) src(%arg13 : memref<50x64xf32, #tpu.memory_space<vmem>>) dst(%dma_wait3A_53 : memref<50x64xf32, #tpu.memory_space<hbm>>)
    %dma_wait3A_54 = arith.constant 0 : i32
    %dma_wait3A_55 = arith.constant 0 : i32
    %dma_wait3A_56 = arith.constant 0 : i32
    %dma_wait3A_57 = tpu.memref_slice %arg5[%dma_wait3A_54, %dma_wait3A_55, %dma_wait3A_56] : memref<16384x50x64xf32, #tpu.memory_space<hbm>> -> memref<1x50x64xf32, #tpu.memory_space<hbm>>
    %dma_wait3A_58 = tpu.memref_squeeze %dma_wait3A_57 : memref<1x50x64xf32, #tpu.memory_space<hbm>> -> memref<50x64xf32, #tpu.memory_space<hbm>>
    %dma_wait3A_59 = arith.constant 0 : i32
    %dma_wait3A_60 = arith.constant 0 : i32
    %dma_wait3A_61 = tpu.memref_slice %arg5[%dma_wait3A_54, %dma_wait3A_59, %dma_wait3A_60] : memref<16384x50x64xf32, #tpu.memory_space<hbm>> -> memref<1x50x64xf32, #tpu.memory_space<hbm>>
    %dma_wait3A_62 = tpu.memref_squeeze %dma_wait3A_61 : memref<1x50x64xf32, #tpu.memory_space<hbm>> -> memref<50x64xf32, #tpu.memory_space<hbm>>
    tpu.wait_dma2 semaphore(%arg22 : memref<!tpu.dma_semaphore, #tpu.memory_space<semaphore_mem>>) src(%arg14 : memref<50x64xf32, #tpu.memory_space<vmem>>) dst(%dma_wait3A_62 : memref<50x64xf32, #tpu.memory_space<hbm>>)
    %dma_wait3A_63 = arith.constant 0 : i32
    %dma_wait3A_64 = arith.constant 0 : i32
    %dma_wait3A_65 = arith.constant 0 : i32
    %dma_wait3A_66 = tpu.memref_slice %arg5[%dma_wait3A_63, %dma_wait3A_64, %dma_wait3A_65] : memref<16384x50x64xf32, #tpu.memory_space<hbm>> -> memref<1x50x64xf32, #tpu.memory_space<hbm>>
    %dma_wait3A_67 = tpu.memref_squeeze %dma_wait3A_66 : memref<1x50x64xf32, #tpu.memory_space<hbm>> -> memref<50x64xf32, #tpu.memory_space<hbm>>
    %dma_wait3A_68 = arith.constant 0 : i32
    %dma_wait3A_69 = arith.constant 0 : i32
    %dma_wait3A_70 = tpu.memref_slice %arg5[%dma_wait3A_63, %dma_wait3A_68, %dma_wait3A_69] : memref<16384x50x64xf32, #tpu.memory_space<hbm>> -> memref<1x50x64xf32, #tpu.memory_space<hbm>>
    %dma_wait3A_71 = tpu.memref_squeeze %dma_wait3A_70 : memref<1x50x64xf32, #tpu.memory_space<hbm>> -> memref<50x64xf32, #tpu.memory_space<hbm>>
    tpu.wait_dma2 semaphore(%arg23 : memref<!tpu.dma_semaphore, #tpu.memory_space<semaphore_mem>>) src(%arg15 : memref<50x64xf32, #tpu.memory_space<vmem>>) dst(%dma_wait3A_71 : memref<50x64xf32, #tpu.memory_space<hbm>>)
    return
  }
}

</mosaic_0001>

<sc_bundles>
// kernel: _embed.3.cloned.1.call-start
scs
__scs_entry_jumppad:
0x0: {  	(pc) =	sbr.rel $0x88, $3  }
0x1: {  	(tag) =	ssettag $0x0;
	lr =	simm.s32 $0x1  }
0x2: {  	[smem:$0x3F9E] =	sst lr;
	_ =	strace $0xD0000000  }
0x3: {  	_ = 	snop  }
0x4: {  	_ = 	snop  }
0x5: {  	_ = 	snop  }
0x6: {  	_ = 	snop  }
0x7: {  	_ = 	snop  }
__scs_overlays_trampoline_lowered:
0x8: {  	[smem:$0x3FAD] =	sst s0  }
0x9: {  	[smem:$0x3FAE] =	sst s1  }
0xa: {  	[smem:$0x3FAF] =	sst s2  }
0xb: {  	[smem:$0x3FB0] =	sst s3  }
0xc: {  	[smem:$0x3FB1] =	sst s4  }
0xd: {  	[smem:$0x3FB2] =	sst s5  }
0xe: {  	[smem:$0x3FB3] =	sst s6  }
0xf: {  	[smem:$0x3FB4] =	sst s7  }
0x10: {  	[smem:$0x3FB5] =	sst s8  }
0x11: {  	[smem:$0x3FB6] =	sst s9;
	s0 =	simm.s32 @!p0 $0x0  }
0x12: {  	s1 =	sld [smem:$0x3F9C];
	s0 =	simm.s32 @p0 $0x1  }
0x13: {  	[smem:$0x3FB7] =	sst s0;
	s0 =	simm.s32 @!p1 $0x0  }
0x14: {  	s2 =	sld [smem:$0x3F9B];
	s0 =	simm.s32 @p1 $0x1  }
0x15: {  	[smem:$0x3FB8] =	sst s0;
	s0 =	simm.s32 @!p2 $0x0  }
0x16: {  	s3 =	sld [smem:$0x3FDB];
	s0 =	simm.s32 @p2 $0x1  }
0x17: {  	s4 =	simm.s32 $0x1BF5;
	[smem:$0x3FBA] =	sst s0  }
0x18: {  	s0 =	sld [smem:$0x3F9D];
	_ =	swait.ge [sflag:s4], $0x0  }
0x19: {  	s7 =	sld [smem:$0x3F9E]  }
0x1a: {  	s8 =	sadd.s32 $0xFFFFE003, lr  }
0x1b: {  	s9 =	sadd.s32 $0xFFFFFEF7, lr;
	s5 =	simm.s32 $0xFFFFFFFF;
	p2 =	slt.u32 s8, $0xFFFFF086  }
0x1c: {  	p1 =	slt.u32 s9, $0xF7A;
	s5 =	simm.s32 @!p2 $0x0  }
0x1d: {  	s5 =	simm.s32 @p1 $0x1;
	p0 =	seq.s32 s7, s2  }
0x1e: {  	s7 =	smul.u32 @!p0 $0xF7A, s2;
	p2 =	seq.s32 @!p0 s5, $0x0  }
0x1f: {  	s9 =	smul.u32 $0xF7A, s1;
	s8 =	simm.s32 @!p0 $0x1BF5;
	p2 =	por !p2, p0  }
0x20: {  	[sflag:s8] =	ssyncset.s32 @!p0 $0xFFFFF086;
	s6 =	sadd.s32 @!p0 s3, s7;
	s7 =	simm.s32 @!p0 $0x108  }
0x21: {  	s3 =	sadd.s32 s3, s9;
	s6 =	sadd.s32 @!p0 $0x88, s6;
	s7 =	simm.s32 @p2 $0x1082  }
0x22: {  	[simem:s7], [sflag:s8] =	dma.local @!p0 [hbm:s6], $0xF7A  }
0x23: {  	s9 =	sor.u32 $0xD0000000, s2;
	s6 =	simm.s32 $0x108;
	_ =	swait.ge @!p0 [sflag:s8], $0x0  }
0x24: {  	s3 =	sadd.s32 $0x88, s3;
	s6 =	simm.s32 @!p1 $0x1082;
	[sflag:s4] =	ssyncset.s32 $0xFFFFF086  }
0x25: {  	[simem:s6], [sflag:s4] =	dma.local [hbm:s3], $0xF7A  }
0x26: {  	[smem:$0x3F9E] =	sst s1;
	(tag) =	ssettag s2;
	_ =	strace s9  }
0x27: {  	s1 =	sld [smem:$0x3FAE]  }
0x28: {  	s2 =	sld [smem:$0x3FAF]  }
0x29: {  	s4 =	sld [smem:$0x3FB1]  }
0x2a: {  	p0 =	seq.s32 s5, $0x0;
	s5 =	sld [smem:$0x3FB2]  }
0x2b: {  	s6 =	sld [smem:$0x3FB3]  }
0x2c: {  	s7 =	sld [smem:$0x3FB4]  }
0x2d: {  	s3 =	simm.s32 $0x108;
	s8 =	sld [smem:$0x3FB5]  }
0x2e: {  	s3 =	simm.s32 @!p0 $0x1082;
	s9 =	sld [smem:$0x3FB6]  }
0x2f: {  	lr =	sadd.s32 s0, s3;
	s0 =	sld [smem:$0x3FAD]  }
0x30: {  	s3 =	sld [smem:$0x3FB0]  }
0x31: {  	[smem:$0x3FB9] =	sst s10  }
0x32: {  	s10 =	sld [smem:$0x3FB7];
	_ =	sdelay $0x3  }
0x33: {  	p0 =	seq.s32 s10, $0x1;
	s10 =	sld [smem:$0x3FB9];
	_ =	sdelay $0x3  }
0x34: {  	[smem:$0x3FB9] =	sst s10  }
0x35: {  	s10 =	sld [smem:$0x3FB8];
	_ =	sdelay $0x3  }
0x36: {  	p1 =	seq.s32 s10, $0x1;
	s10 =	sld [smem:$0x3FB9];
	_ =	sdelay $0x3  }
0x37: {  	[smem:$0x3FB9] =	sst s10  }
0x38: {  	s10 =	sld [smem:$0x3FBA]  }
0x39: {  	_ = 	snop;
	(pc) =	sbr.ind lr, $3  }
0x3a: {  	_ = 	snop  }
0x3b: {  	_ = 	snop  }
0x3c: {  	p2 =	seq.s32 s10, $0x1;
	s10 =	sld [smem:$0x3FB9]  }
0x3d: {  	_ =	shalt  }
0x3e: {  	_ =	shalt  }
0x3f: {  	_ =	shalt  }
0x40: {  	_ =	shalt  }
0x41: {  	_ =	shalt  }
0x42: {  	_ =	shalt  }
0x43: {  	_ =	shalt  }
0x44: {  	_ =	shalt  }
0x45: {  	_ =	shalt  }
0x46: {  	_ =	shalt  }
0x47: {  	_ =	shalt  }
0x48: {  	_ =	shalt  }
0x49: {  	_ =	shalt  }
0x4a: {  	_ =	shalt  }
0x4b: {  	_ =	shalt  }
0x4c: {  	_ =	shalt  }
0x4d: {  	_ =	shalt  }
0x4e: {  	_ =	shalt  }
0x4f: {  	_ =	shalt  }
0x50: {  	_ =	shalt  }
0x51: {  	_ =	shalt  }
0x52: {  	_ =	shalt  }
0x53: {  	_ =	shalt  }
0x54: {  	_ =	shalt  }
0x55: {  	_ =	shalt  }
0x56: {  	_ =	shalt  }
0x57: {  	_ =	shalt  }
0x58: {  	_ =	shalt  }
0x59: {  	_ =	shalt  }
0x5a: {  	_ =	shalt  }
0x5b: {  	_ =	shalt  }
0x5c: {  	_ =	shalt  }
0x5d: {  	_ =	shalt  }
0x5e: {  	_ =	shalt  }
0x5f: {  	_ =	shalt  }
0x60: {  	_ =	shalt  }
0x61: {  	_ =	shalt  }
0x62: {  	_ =	shalt  }
0x63: {  	_ =	shalt  }
0x64: {  	_ =	shalt  }
0x65: {  	_ =	shalt  }
0x66: {  	_ =	shalt  }
0x67: {  	_ =	shalt  }
0x68: {  	_ =	shalt  }
0x69: {  	_ =	shalt  }
0x6a: {  	_ =	shalt  }
0x6b: {  	_ =	shalt  }
0x6c: {  	_ =	shalt  }
0x6d: {  	_ =	shalt  }
0x6e: {  	_ =	shalt  }
0x6f: {  	_ =	shalt  }
0x70: {  	_ =	shalt  }
0x71: {  	_ =	shalt  }
0x72: {  	_ =	shalt  }
0x73: {  	_ =	shalt  }
0x74: {  	_ =	shalt  }
0x75: {  	_ =	shalt  }
0x76: {  	_ =	shalt  }
0x77: {  	_ =	shalt  }
0x78: {  	_ =	shalt  }
0x79: {  	_ =	shalt  }
0x7a: {  	_ =	shalt  }
0x7b: {  	_ =	shalt  }
0x7c: {  	_ =	shalt  }
0x7d: {  	_ =	shalt  }
0x7e: {  	_ =	shalt  }
0x7f: {  	_ =	shalt  }
0x80: {  	_ =	shalt  }
0x81: {  	_ =	shalt  }
0x82: {  	_ =	shalt  }
0x83: {  	_ =	shalt  }
0x84: {  	_ =	shalt  }
0x85: {  	_ =	shalt  }
0x86: {  	_ =	shalt  }
0x87: {  	_ =	shalt  }
.Lfunc_end0:
.L_simem_size_0:
called_computation_lowered:
.L_overlay_start_0:
0x88: {  	s2 =	sld [smem:$0x3FD9]  }
0x89: {  	s3 =	sld [smem:$0x3FFE];
	_ =	sdelay $0x1  }
0x8a: {  	s1 =	srdreg.scid  }
0x8b: {  	s0 =	sand.u32 $0x1, s1  }
0x8c: {  	s17 =	sshll.u32 s0, $0xA;
	s2 =	sadd.s32 s3, s2  }
0x8d: {  	s2 =	sadd.s32 s2, s17  }
0x8e: {  	[smem:$0x3FC5] =	sst s2  }
0x8f: {  	_ = 	snop  }
0x90: {  	s2 =	sld [smem:$0x3FC9]  }
0x91: {  	s18 =	sld [smem:$0x3FC7]  }
0x92: {  	s4 =	sld [smem:$0x3FD0];
	(tm) =	ssettm $0x1  }
0x93: {  	s5 =	sld [smem:$0x3FFB];
	_ =	sdelay $0x3  }
0x94: {  	_ =	strace s5  }
0x95: {  	s5 =	sld [smem:$0x3FFC];
	_ =	sdelay $0x3  }
0x96: {  	_ =	strace s5  }
0x97: {  	s5 =	sld [smem:$0x3FFD];
	_ =	sdelay $0x3  }
0x98: {  	_ =	strace s5  }
0x99: {  	_ =	strace $0x8FFFFFFF  }
0x9a: {  	s19 =	sld [smem:$0x3FDB];
	_ =	sdelay $0x1  }
0x9b: {  	s6 =	simm.s32 $_scs_section_size  }
0x9c: {  	s7 =	simm.s32 $_size__tile_overlayer_lowered;
	s8 =	simm.s32 $_tile_overlayer_lowered  }
0x9d: {  	s22 =	simm.s32 $0x1BFF;
	s21 =	sshll.u32 s8, $0x1;
	s5 =	sadd.s32 s6, s19  }
0x9e: {  	s9 =	simm.s32 $0x0;
	s20 =	sshll.u32 s7, $0x1;
	s7 =	sadd.s32 s21, s5  }
0x9f: {  	[timem:s9], [sflag:s22] =	dma.local [hbm:s7], s20  }
0xa0: {  	_ =	swait.ge [sflag:s22], s20  }
0xa1: {  	s6 =	ssub.s32 $0x0, s20;
	[sflag:s22] =	ssyncset.done $0x0  }
0xa2: {  	[sflag:s22] =	ssyncadd.s32 s6;
	_ =	sdelay $0x1  }
0xa3: {  	s23 =	simm.s32 $0x1B8B  }
0xa4: {  	_ =	swait.ge [sflag:s23], $0x1  }
0xa5: {  	[sflag:s23] =	ssyncset.done $0x0  }
0xa6: {  	s25 =	simm.s32 $0x1B8E;
	s24 =	sld [smem:$0x3FFE];
	[sflag:s23] =	ssyncadd.s32 $0xFFFFFFFF  }
0xa7: {  	s26 =	simm.s32 $execute0_lowered;
	[smem:$0x3FD2] =	sst s25  }
0xa8: {  	s7 =	sshll.u32 s26, $0x1;
	_ =	strace $0x80000046;
	[dreg:$0x1] =	wrdreg $0xFFFFFFFF  }
0xa9: {  	s28 =	simm.s32 $_size_execute0_lowered;
	s5 =	sadd.s32 s5, s7;
	[dreg:$0x0] =	wrdreg $0x0  }
0xaa: {  	s7 =	sshll.u32 s28, $0x1;
	[dreg:$0x2] =	wrdreg s5  }
0xab: {  	[dreg:$0x3] =	wrdreg s7  }
0xac: {  	[dreg:$0x4] =	wrdreg $0xC0  }
0xad: {  	_ =	task [dreg:s9], $0x5FFFF  }
0xae: {  	[dreg:$0x1] =	wrdreg $0xFFFFFFFF  }
0xaf: {  	[dreg:$0x0] =	wrdreg $0x60  }
0xb0: {  	[dreg:$0x2] =	wrdreg s2  }
0xb1: {  	[dreg:$0x3] =	wrdreg s4  }
0xb2: {  	[dreg:$0x4] =	wrdreg s18  }
0xb3: {  	[dreg:$0x5] =	wrdreg s24  }
0xb4: {  	[dreg:$0x6] =	wrdreg $0x9  }
0xb5: {  	_ =	task.clear_ibuf [dreg:s9], $0x7FFFF;
	_ =	strace $0x90000046  }
0xb6: {  	s29 =	simm.s32 $0x9;
	_ =	strace $0x80000048  }
0xb7: {  	_ =	swait.ge [sflag:s29], $0x1  }
0xb8: {  	[sflag:s29] =	ssyncadd.s32 $0xFFFFFFFF  }
0xb9: {  	_ =	strace $0x90000048  }
0xba: {  	_ =	sfence  }
0xbb: {  	s30 =	sld [smem:$0x0];
	_ =	sdelay $0x2  }
0xbc: {  	s31 =	sshll.u32 s1, $0xD;
	s1 =	sshrl.u32 s1, $0x2  }
0xbd: {  	s3 =	sand.u32 $0x4000, s31;
	s1 =	sadd.s32 s1, s30  }
0xbe: {  	s0 =	sor.u32 s3, s0;
	s1 =	sshll.u32 s1, $0x11  }
0xbf: {  	s0 =	sor.u32 s1, s0  }
0xc0: {  	s0 =	sadd.s32 $0x8F2B, s0  }
0xc1: {  	[sflag:s0] =	ssyncadd.remote.s32 $0x1  }
0xc2: {  	_ =	sfence.sel $0xFFFF  }
0xc3: {  	[dreg:$0x0] =	wrdreg $0xFFFFFFFF;
	(pc) =	sbr.abs _section_cstart, $3  }
0xc4: {  	[dreg:$0x1] =	wrdreg $0xFFFFFFFF  }
0xc5: {  	_ =	task.clear_ibuf [dreg:s9], $0x2FFFF;
	_ =	strace $0x9FFFFFFF  }
0xc6: {  	(tm) =	ssettm $0x7FFFFFFF  }
0xc7: {  	_ =	shalt  }
tec
execute0_lowered:
.L_overlay_start_1:
0x0: {  	(tag) =	ssettag $0x1  }
0x1: {  	s1 =	rddreg [dreg:$0x0]  }
0x2: {  	s0 =	rddreg [dreg:$0x1]  }
0x3: {  	s2 =	rddreg [dreg:$0x3];
	s4 =	simm.s32 $0x0  }
0x4: {  	s3 =	srdreg.scid;
	s5 =	stileid.u32;
	s9 =	simm.s32 $0x9  }
0x5: {  	s11 =	simm.s32 $0x32;
	s16 =	simm.s32 $0x13880;
	s17 =	simm.s32 $0x180  }
0x6: {  	s18 =	simm.s32 $0x15480;
	s19 =	simm.s32 $0x1;
	s20 =	simm.s32 $0x17080  }
0x7: {  	s21 =	simm.s32 $0x2;
	s22 =	simm.s32 $0x18C80;
	s23 =	simm.s32 $0x3  }
0x8: {  	s24 =	simm.s32 $0x1A880;
	s25 =	simm.s32 $0x4;
	s28 =	simm.s32 $0x5  }
0x9: {  	s29 =	simm.s32 $0x6;
	s30 =	simm.s32 $0x7;
	s31 =	simm.s32 $0x8  }
0xa: {  	[smem:$0x7FF] =	sst s4;
	s3 =	sand.u32 $0x1, s3;
	s5 =	sshll.u32 s5, $0x1  }
0xb: {  	_ =	strace $0x80000047;
	s6 =	ssub.s32 $0x2, s3;
	s3 =	sor.u32 s3, s5  }
0xc: {  	s5 =	sadd.s32 $0x400, s2;
	s26 =	sshrl.u32 s6, $0x1;
	s7 =	sshll.u32 s3, $0xD  }
0xd: {  	s2 =	ssub.s32 s6, s26;
	s6 =	sshll.u32 s3, $0x9;
	s7 =	sadd.s32 s0, s7  }
0xe: {  	s26 =	simm.s32 $0x1C480;
	s0 =	simm.s32 $0x0;
	s8 =	smax.u32 s2, $0x1  }
.LBB2_1:
0xf: {  	[tilespmem:s4], [sflag:$0x9] =	stream.linear.gather [hbm4b:s7+s4], $0x10000, $0x38;
	[tilespmem:$0x1E080] =	vst v63  }
0x10: {  	_ =	swait.ge [sflag:s9], $0x10000  }
0x11: {  	[sflag:s9] =	ssyncset.done $0x0  }
0x12: {  	[sflag:s9] =	ssyncadd.s32 $0xFFFF0000  }
0x13: {  	s3 =	simm.s32 $0x10000;
	s2 =	rddreg [dreg:$0x2]  }
0x14: {  	[tilespmem:s3], [sflag:$0x9] =	stream.linear.gather [hbm4b:s2+s4], $0x80, $0x38;
	[tilespmem:$0x1E080] =	vst v63  }
0x15: {  	_ =	swait.ge [sflag:s9], $0x80  }
0x16: {  	[sflag:s9] =	ssyncset.done $0x0  }
0x17: {  	s12 =	simm.s32 $0x10080;
	[sflag:s9] =	ssyncadd.s32 $0xFFFFFF80  }
0x18: {  	v0 =	vld [tilespmem:$0x10000];
	[tilespmem:s12], [sflag:$0x1] =	stream.indirect.gather [hbm4b:s1+s11], $0x80, s4, s11, $0xb8  }
0x19: {  	s13 =	simm.s32 $0x80;
	s14 =	simm.s32 $0x11C80  }
0x1a: {  	[tilespmem:s14], [sflag:$0x2] =	stream.indirect.gather [hbm4b:s1+s11], $0x80, s13, s11, $0xb8;
	[tilespmem:$0x1E080] =	vst v63  }
0x1b: {  	s15 =	simm.s32 $0x100  }
0x1c: {  	[tilespmem:s16], [sflag:$0x3] =	stream.indirect.gather [hbm4b:s1+s11], $0x80, s15, s11, $0xb8;
	[tilespmem:$0x1E080] =	vst v63  }
0x1d: {  	s3 =	simm.s32 $0x0  }
0x1e: {  	[tilespmem:s18], [sflag:$0x4] =	stream.indirect.gather [hbm4b:s1+s11], $0x80, s17, s11, $0xb8;
	[tilespmem:$0x1E080] =	vst v63  }
.LBB2_2:
0x1f: {  	_ =	swait.ge [sflag:s19], $0x1900  }
0x20: {  	p1 =	seq.s32 s3, $0x0;
	[sflag:s19] =	ssyncset.done $0x0  }
0x21: {  	s2 =	simm.s32 @!p1 $0x5;
	[sflag:s19] =	ssyncadd.s32 $0xFFFFE700  }
0x22: {  	_ =	swait.ge @!p1 [sflag:s2], $0x1900  }
0x23: {  	[sflag:s2] =	ssyncset.done @!p1 $0x0  }
0x24: {  	s12 =	simm.s32 $0x0;
	[sflag:s2] =	ssyncadd.s32 @!p1 $0xFFFFE700  }
0x25: {  	v2 =	vld [tilespmem:s12+$0x100B0]  }
0x26: {  	v3 =	vld [tilespmem:s12+$0x10080]  }
0x27: {  	v4 =	vld [tilespmem:s12+$0x10090]  }
0x28: {  	v1 =	vld [tilespmem:s12+$0x100A0]  }
0x29: {  	s10 =	sshll.u32 s3, $0x2;
	s2 =	simm.s32 $0x200  }
.LBB2_3:
0x2a: {  	s13 =	sshra.s32 s2, $0x2;
	p0 =	sne.s32 s2, $0x6200;
	s2 =	sadd.s32 $0x200, s2;
	v5 =	vmul.f32 v2, v0  }
.Ltmp0:
0x2b: {  	v2 =	vld [tilespmem:s13+$0x100B0];
	v6 =	vmul.f32 v3, v0;
	(pc) =	sbr.rel @p0 .LBB2_3-.Ltmp0, $4  }
0x2c: {  	v3 =	vld [tilespmem:s13+$0x10080];
	v7 =	vmul.f32 v4, v0;
	[tilespmem:s12+$0x170B0] =	vst v5  }
0x2d: {  	v4 =	vld [tilespmem:s13+$0x10090];
	[tilespmem:s12+$0x17080] =	vst v6;
	v5 =	vmul.f32 v1, v0  }
0x2e: {  	v1 =	vld [tilespmem:s13+$0x100A0];
	[tilespmem:s12+$0x17090] =	vst v7  }
0x2f: {  	[tilespmem:s12+$0x170A0] =	vst v5;
	s12 =	smov.u32 s13  }
0x30: {  	v2 =	vmul.f32 v2, v0  }
0x31: {  	v3 =	vmul.f32 v3, v0  }
0x32: {  	p0 =	seq.s32 s3, $0x7F;
	v4 =	vmul.f32 v4, v0;
	[tilespmem:s12+$0x170B0] =	vst v2  }
0x33: {  	s2 =	sshll.u32 @!p0 s3, $0x9;
	[tilespmem:s12+$0x17080] =	vst v3;
	v1 =	vmul.f32 v1, v0  }
0x34: {  	s14 =	sadd.s32 s6, s10;
	s15 =	simm.s32 @!p0 $0x10080;
	s2 =	sand.u32 @!p0 $0x3FFFFE00, s2;
	[tilespmem:s12+$0x17090] =	vst v4  }
0x35: {  	s14 =	smul.u32 $0x380, s14;
	s13 =	sadd.s32 @!p0 $0x200, s2;
	[tilespmem:s12+$0x170A0] =	vst v1;
	s12 =	simm.s32 @!p0 $0x32  }
0x36: {  	[tilespmem:s15], [sflag:$0x1] =	stream.indirect.gather @!p0 [hbm4b:s1+s12], $0x80, s13, s12, $0xb8;
	[tilespmem:$0x1E080] =	vst v63  }
0x37: {  	s15 =	sadd.s32 s5, s14  }
0x38: {  	[hbm4b:s15+s4] =	stream.linear.scatter [tilespmem:s20], [sflag:$0x5], $0x1900, $0x38;
	[tilespmem:$0x1E080] =	vst v63  }
0x39: {  	_ =	swait.ge [sflag:s21], $0x1900  }
0x3a: {  	[sflag:s21] =	ssyncset.done $0x0  }
0x3b: {  	s12 =	simm.s32 @!p1 $0x6;
	[sflag:s21] =	ssyncadd.s32 $0xFFFFE700  }
0x3c: {  	_ =	swait.ge @!p1 [sflag:s12], $0x1900  }
0x3d: {  	[sflag:s12] =	ssyncset.done @!p1 $0x0  }
0x3e: {  	[sflag:s12] =	ssyncadd.s32 @!p1 $0xFFFFE700;
	s12 =	simm.s32 $0x0  }
0x3f: {  	v2 =	vld [tilespmem:s12+$0x11CB0]  }
0x40: {  	v3 =	vld [tilespmem:s12+$0x11C80]  }
0x41: {  	v4 =	vld [tilespmem:s12+$0x11C90]  }
0x42: {  	v1 =	vld [tilespmem:s12+$0x11CA0]  }
0x43: {  	s13 =	simm.s32 $0x200  }
.LBB2_5:
0x44: {  	s14 =	sshra.s32 s13, $0x2;
	p2 =	sne.s32 s13, $0x6200;
	s13 =	sadd.s32 $0x200, s13;
	v5 =	vmul.f32 v2, v0  }
.Ltmp1:
0x45: {  	v2 =	vld [tilespmem:s14+$0x11CB0];
	v6 =	vmul.f32 v3, v0;
	(pc) =	sbr.rel @p2 .LBB2_5-.Ltmp1, $4  }
0x46: {  	v3 =	vld [tilespmem:s14+$0x11C80];
	v7 =	vmul.f32 v4, v0;
	[tilespmem:s12+$0x18CB0] =	vst v5  }
0x47: {  	v4 =	vld [tilespmem:s14+$0x11C90];
	[tilespmem:s12+$0x18C80] =	vst v6;
	v5 =	vmul.f32 v1, v0  }
0x48: {  	v1 =	vld [tilespmem:s14+$0x11CA0];
	[tilespmem:s12+$0x18C90] =	vst v7  }
0x49: {  	[tilespmem:s12+$0x18CA0] =	vst v5;
	s12 =	smov.u32 s14  }
0x4a: {  	v2 =	vmul.f32 v2, v0  }
0x4b: {  	v3 =	vmul.f32 v3, v0  }
0x4c: {  	s10 =	sadd.s32 s10, s6;
	v4 =	vmul.f32 v4, v0;
	[tilespmem:s12+$0x18CB0] =	vst v2  }
0x4d: {  	s10 =	smul.u32 $0x380, s10;
	[tilespmem:s12+$0x18C80] =	vst v3;
	v1 =	vmul.f32 v1, v0  }
0x4e: {  	s13 =	sadd.s32 @!p0 $0x280, s2;
	[tilespmem:s12+$0x18C90] =	vst v4  }
0x4f: {  	s14 =	simm.s32 @!p0 $0x11C80;
	s10 =	sadd.s32 s5, s10;
	[tilespmem:s12+$0x18CA0] =	vst v1;
	s12 =	simm.s32 @!p0 $0x32  }
0x50: {  	[tilespmem:s14], [sflag:$0x2] =	stream.indirect.gather @!p0 [hbm4b:s1+s12], $0x80, s13, s12, $0xb8;
	[tilespmem:$0x1E080] =	vst v63  }
0x51: {  	s15 =	sadd.s32 $0x380, s10  }
0x52: {  	[hbm4b:s15+s4] =	stream.linear.scatter [tilespmem:s22], [sflag:$0x6], $0x1900, $0x38;
	[tilespmem:$0x1E080] =	vst v63  }
0x53: {  	_ =	swait.ge [sflag:s23], $0x1900  }
0x54: {  	[sflag:s23] =	ssyncset.done $0x0  }
0x55: {  	s12 =	simm.s32 @!p1 $0x7;
	[sflag:s23] =	ssyncadd.s32 $0xFFFFE700  }
0x56: {  	_ =	swait.ge @!p1 [sflag:s12], $0x1900  }
0x57: {  	[sflag:s12] =	ssyncset.done @!p1 $0x0  }
0x58: {  	[sflag:s12] =	ssyncadd.s32 @!p1 $0xFFFFE700;
	s12 =	simm.s32 $0x0  }
0x59: {  	v2 =	vld [tilespmem:s12+$0x138B0]  }
0x5a: {  	v3 =	vld [tilespmem:s12+$0x13880]  }
0x5b: {  	v4 =	vld [tilespmem:s12+$0x13890]  }
0x5c: {  	v1 =	vld [tilespmem:s12+$0x138A0]  }
0x5d: {  	s13 =	simm.s32 $0x200  }
.LBB2_7:
0x5e: {  	s14 =	sshra.s32 s13, $0x2;
	p2 =	sne.s32 s13, $0x6200;
	s13 =	sadd.s32 $0x200, s13;
	v5 =	vmul.f32 v2, v0  }
.Ltmp2:
0x5f: {  	v2 =	vld [tilespmem:s14+$0x138B0];
	v6 =	vmul.f32 v3, v0;
	(pc) =	sbr.rel @p2 .LBB2_7-.Ltmp2, $4  }
0x60: {  	v3 =	vld [tilespmem:s14+$0x13880];
	v7 =	vmul.f32 v4, v0;
	[tilespmem:s12+$0x1A8B0] =	vst v5  }
0x61: {  	v4 =	vld [tilespmem:s14+$0x13890];
	[tilespmem:s12+$0x1A880] =	vst v6;
	v5 =	vmul.f32 v1, v0  }
0x62: {  	v1 =	vld [tilespmem:s14+$0x138A0];
	[tilespmem:s12+$0x1A890] =	vst v7  }
0x63: {  	[tilespmem:s12+$0x1A8A0] =	vst v5;
	s12 =	smov.u32 s14  }
0x64: {  	v2 =	vmul.f32 v2, v0  }
0x65: {  	v3 =	vmul.f32 v3, v0  }
0x66: {  	v4 =	vmul.f32 v4, v0;
	[tilespmem:s12+$0x1A8B0] =	vst v2  }
0x67: {  	[tilespmem:s12+$0x1A880] =	vst v3;
	v1 =	vmul.f32 v1, v0  }
0x68: {  	[tilespmem:s12+$0x1A890] =	vst v4  }
0x69: {  	s13 =	simm.s32 @!p0 $0x32;
	s14 =	simm.s32 @!p0 $0x13880;
	[tilespmem:s12+$0x1A8A0] =	vst v1;
	s12 =	sadd.s32 @!p0 $0x300, s2  }
0x6a: {  	[tilespmem:s14], [sflag:$0x3] =	stream.indirect.gather @!p0 [hbm4b:s1+s13], $0x80, s12, s13, $0xb8;
	[tilespmem:$0x1E080] =	vst v63  }
0x6b: {  	s15 =	sadd.s32 $0x700, s10  }
0x6c: {  	[hbm4b:s15+s4] =	stream.linear.scatter [tilespmem:s24], [sflag:$0x7], $0x1900, $0x38;
	[tilespmem:$0x1E080] =	vst v63  }
0x6d: {  	_ =	swait.ge [sflag:s25], $0x1900  }
0x6e: {  	[sflag:s25] =	ssyncset.done $0x0  }
0x6f: {  	s12 =	simm.s32 @!p1 $0x8;
	[sflag:s25] =	ssyncadd.s32 $0xFFFFE700  }
0x70: {  	_ =	swait.ge @!p1 [sflag:s12], $0x1900  }
0x71: {  	[sflag:s12] =	ssyncset.done @!p1 $0x0  }
0x72: {  	[sflag:s12] =	ssyncadd.s32 @!p1 $0xFFFFE700;
	s12 =	simm.s32 $0x0  }
0x73: {  	v2 =	vld [tilespmem:s12+$0x154B0]  }
0x74: {  	v3 =	vld [tilespmem:s12+$0x15480]  }
0x75: {  	v4 =	vld [tilespmem:s12+$0x15490]  }
0x76: {  	v1 =	vld [tilespmem:s12+$0x154A0]  }
0x77: {  	s13 =	simm.s32 $0x200  }
.LBB2_9:
0x78: {  	s14 =	sshra.s32 s13, $0x2;
	p1 =	sne.s32 s13, $0x6200;
	s13 =	sadd.s32 $0x200, s13;
	v5 =	vmul.f32 v2, v0  }
.Ltmp3:
0x79: {  	v2 =	vld [tilespmem:s14+$0x154B0];
	v6 =	vmul.f32 v3, v0;
	(pc) =	sbr.rel @p1 .LBB2_9-.Ltmp3, $4  }
0x7a: {  	v3 =	vld [tilespmem:s14+$0x15480];
	v7 =	vmul.f32 v4, v0;
	[tilespmem:s12+$0x1C4B0] =	vst v5  }
0x7b: {  	v4 =	vld [tilespmem:s14+$0x15490];
	[tilespmem:s12+$0x1C480] =	vst v6;
	v5 =	vmul.f32 v1, v0  }
0x7c: {  	v1 =	vld [tilespmem:s14+$0x154A0];
	[tilespmem:s12+$0x1C490] =	vst v7  }
0x7d: {  	[tilespmem:s12+$0x1C4A0] =	vst v5;
	s12 =	smov.u32 s14  }
0x7e: {  	v2 =	vmul.f32 v2, v0  }
0x7f: {  	v3 =	vmul.f32 v3, v0  }
0x80: {  	v4 =	vmul.f32 v4, v0;
	[tilespmem:s12+$0x1C4B0] =	vst v2  }
0x81: {  	[tilespmem:s12+$0x1C480] =	vst v3;
	v1 =	vmul.f32 v1, v0  }
0x82: {  	s2 =	sadd.s32 @!p0 $0x380, s2;
	[tilespmem:s12+$0x1C490] =	vst v4  }
0x83: {  	s13 =	simm.s32 @!p0 $0x15480;
	s3 =	sadd.s32 $0x1, s3;
	[tilespmem:s12+$0x1C4A0] =	vst v1;
	s12 =	simm.s32 @!p0 $0x32  }
0x84: {  	[tilespmem:s13], [sflag:$0x4] =	stream.indirect.gather @!p0 [hbm4b:s1+s12], $0x80, s2, s12, $0xb8;
	[tilespmem:$0x1E080] =	vst v63  }
0x85: {  	p0 =	sne.s32 s3, $0x80  }
.Ltmp4:
0x86: {  	_ = 	snop;
	(pc) =	sbr.rel @p0 .LBB2_2-.Ltmp4, $3  }
0x87: {  	_ =	sdelay $0x1  }
0x88: {  	s15 =	sadd.s32 $0xA80, s10  }
0x89: {  	[hbm4b:s15+s4] =	stream.linear.scatter [tilespmem:s26], [sflag:$0x8], $0x1900, $0x38;
	[tilespmem:$0x1E080] =	vst v63  }
0x8a: {  	_ =	swait.ge [sflag:s28], $0x1900  }
0x8b: {  	[sflag:s28] =	ssyncset.done $0x0  }
0x8c: {  	[sflag:s28] =	ssyncadd.s32 $0xFFFFE700  }
0x8d: {  	_ =	swait.ge [sflag:s29], $0x1900  }
0x8e: {  	[sflag:s29] =	ssyncset.done $0x0  }
0x8f: {  	s0 =	sadd.s32 $0x1, s0;
	[sflag:s29] =	ssyncadd.s32 $0xFFFFE700  }
0x90: {  	p0 =	sne.s32 s0, s8;
	_ =	swait.ge [sflag:s30], $0x1900  }
.Ltmp5:
0x91: {  	[sflag:s30] =	ssyncset.done $0x0;
	(pc) =	sbr.rel @p0 .LBB2_1-.Ltmp5, $4  }
0x92: {  	[sflag:s30] =	ssyncadd.s32 $0xFFFFE700  }
0x93: {  	_ =	swait.ge [sflag:s31], $0x1900  }
0x94: {  	[sflag:s31] =	ssyncset.done $0x0  }
0x95: {  	[sflag:s31] =	ssyncadd.s32 $0xFFFFE700  }
0x96: {  	_ =	sfence.sel $0x180000  }
0x97: {  	[bflag:$0x0] =	sbarrier.arrive $0xFFFF  }
0x98: {  	_ =	strace $0x90000047  }
0x99: {  	s0 =	stileid.u32;
	[bflag:$0x2] =	sbarrier.arrive $0xFFFF  }
0x9a: {  	p0 =	sne.s32 s0, $0x0;
	s0 =	rddreg [dreg:$0x4]  }
0x9b: {  	s0 =	sadd.s32 @!p0 $0x100000, s0  }
0x9c: {  	[sflag:s0] =	ssyncadd.tile.s32 @!p0 $0x1;
	_ =	shalt  }
.Lfunc_end2:
_tile_overlayer_lowered:
.L_overlay_start_2:
0x9d: {  	(tag) =	ssettag $0x2  }
0x9e: {  	s0 =	rddreg [dreg:$0x0];
	s2 =	stileid.u32  }
0x9f: {  	s1 =	rddreg [dreg:$0x1];
	p0 =	sne.s32 s2, $0x0  }
0xa0: {  	s3 =	rddreg [dreg:$0x2];
	[bflag:$0x3] =	sbarrier.arrive $0xFFFF;
	s2 =	simm.s32 @!p0 $0x1C09  }
0xa1: {  	[timem:s3], [sflag:s2] =	dma.local @!p0 [hbm:s0], s1  }
0xa2: {  	s0 =	simm.s32 @!p0 $0x9  }
0xa3: {  	_ =	swait.ge @!p0 [sflag:s0], s1  }
0xa4: {  	s1 =	ssub.s32 @!p0 $0x0, s1;
	[sflag:s0] =	ssyncset.done @!p0 $0x0  }
0xa5: {  	[sflag:s0] =	ssyncadd.s32 @!p0 s1  }
0xa6: {  	[bflag:$0x3] =	sbarrier.arrive $0xFFFF  }
0xa7: {  	_ =	shalt  }

</sc_bundles>
